<compile_context>
chip_gen: v7x
topology: tpu7x:2x2x1
jax: 0.10.2.dev20260603
libtpu: 0.0.44.dev20260713+nightly
codegen_flags: <defaults>
</compile_context>

<pallas_src>
import jax
import jax.numpy as jnp
from jax.experimental import pallas as pl
from jax.experimental.pallas import tpu as pltpu
from jax.experimental.pallas import tpu_sc as plsc

_B = 4096
_L = 200
_D = 192
_DP = 256
_N = _B * _L
_W = 128
_NBUF = 2
_NSUB = 32
_WPS = _N // (_W * _NSUB)
_IPS = _N // _NSUB
_GROUPS = _WPS // _NBUF


def _gather_body(tbl_hbm, idx_hbm, out_hbm, idx_ref, s0, s1, h0, h1, si, gs, ws):
    ss = [s0, s1]
    h64s = [h0, h1]
    core = jax.lax.axis_index("core")
    sub = jax.lax.axis_index("subcore")
    sid = core * 16 + sub
    wbase = sid * _WPS

    pltpu.async_copy(idx_hbm.at[pl.ds(sid * _IPS, _IPS)], idx_ref, si).wait()

    def start_gather(w, b):
        iv = idx_ref.at[pl.ds(w * _W, _W)]
        pltpu.async_copy(tbl_hbm.at[iv], ss[b], gs.at[b])

    def wait_gather(b):
        iv = idx_ref.at[pl.ds(0, _W)]
        pltpu.make_async_copy(tbl_hbm.at[iv], ss[b], gs.at[b]).wait()

    def repack(b):
        @pl.loop(0, _W)
        def _(r):
            for j in range(4):
                src = (pl.ds(r, 1), pl.ds(128 + j * 16, 16))
                dst = (pl.ds(r, 1), pl.ds(j * 16, 16))
                h64s[b].at[dst][...] = ss[b].at[src][...]

    def start_writes(w, b):
        rows = pl.ds((wbase + w) * _W, _W)
        pltpu.async_copy(
            ss[b].at[:, pl.ds(0, 128)], out_hbm.at[rows, pl.ds(0, 128)], ws.at[b]
        )
        pltpu.async_copy(h64s[b], out_hbm.at[rows, pl.ds(128, 64)], ws.at[b])

    def wait_writes(b):
        rows = pl.ds(wbase * _W, _W)
        pltpu.make_async_copy(
            ss[b].at[:, pl.ds(0, 128)], out_hbm.at[rows, pl.ds(0, 128)], ws.at[b]
        ).wait()
        pltpu.make_async_copy(
            h64s[b], out_hbm.at[rows, pl.ds(128, 64)], ws.at[b]
        ).wait()

    for b in range(_NBUF):
        start_gather(b, b)

    @pl.loop(1, _GROUPS)
    def _(g):
        for b in range(_NBUF):
            wait_gather(b)
            repack(b)
            start_writes((g - 1) * _NBUF + b, b)
        for b in range(_NBUF):
            wait_writes(b)
            start_gather(g * _NBUF + b, b)

    for b in range(_NBUF):
        wait_gather(b)
        repack(b)
        start_writes((_GROUPS - 1) * _NBUF + b, b)
    for b in range(_NBUF):
        wait_writes(b)


def kernel(x, emb1_weight, emb2_weight):
    table = jnp.concatenate(
        (
            emb1_weight,
            emb2_weight,
            jnp.zeros((emb1_weight.shape[0], _DP - _D), emb1_weight.dtype),
        ),
        axis=1,
    )
    idx = x.reshape(_N).astype(jnp.int32)

    gather = pl.kernel(
        _gather_body,
        out_type=jax.ShapeDtypeStruct((_N, _D), jnp.float32),
        mesh=plsc.VectorSubcoreMesh(
            core_axis_name="core", subcore_axis_name="subcore"
        ),
        scratch_types=[
            pltpu.VMEM((_IPS,), jnp.int32),
            pltpu.VMEM((_W, _DP), jnp.float32),
            pltpu.VMEM((_W, _DP), jnp.float32),
            pltpu.VMEM((_W, 64), jnp.float32),
            pltpu.VMEM((_W, 64), jnp.float32),
            pltpu.SemaphoreType.DMA,
            pltpu.SemaphoreType.DMA((_NBUF,)),
            pltpu.SemaphoreType.DMA((_NBUF,)),
        ],
    )
    out = gather(table, idx)
    return out.reshape(_B, 1, _L, _D)

# --- scband reference (transcript-rebuilt; emitter-appended) ---
"""Pipeline reference for scband-model-40724879901203 (READ-ONLY COPY).

The authoritative reference and input builder live on the scoring server;
editing this copy changes nothing except your own understanding.
"""

import jax, jax.numpy as jnp
import numpy as np

VOCAB = 1000
NUM_FEATS = 64
EMB_SIZE = 128
B = 4096
L = 200

def setup_inputs(seed: int = 0) -> dict:
    key = jax.random.key(seed)
    k1, k2, k3 = jax.random.split(key, 3)
    x = jax.random.randint(k1, (B, L), 0, VOCAB)
    # emb1 weight: min-max scaled amino-acid features (frozen in original) -> values in [0, 1)
    emb1_weight = jax.random.uniform(k2, (VOCAB, NUM_FEATS), dtype=jnp.float32)
    # emb2: standard learned embedding, normal init like nn.Embedding
    emb2_weight = jax.random.normal(k3, (VOCAB, EMB_SIZE), dtype=jnp.float32)
    return {"x": x, "emb1_weight": emb1_weight, "emb2_weight": emb2_weight}

def reference(x, emb1_weight, emb2_weight):
    # emb1 = self.emb1(x); emb2 = self.emb2(x)
    e1 = jnp.take(emb1_weight, x, axis=0)  # [B, L, NUM_FEATS]
    e2 = jnp.take(emb2_weight, x, axis=0)  # [B, L, EMB_SIZE]
    # emb = torch.cat((emb1, emb2), 2)
    emb = jnp.concatenate((e1, e2), axis=2)  # [B, L, NUM_FEATS + EMB_SIZE]
    # return emb.unsqueeze(1)
    return emb[:, None, :, :]  # [B, 1, L, NUM_FEATS + EMB_SIZE]

if __name__ == "__main__":
    import jax
    _d = setup_inputs()
    print(jax.jit(kernel)(*tuple(_d.values())))

</pallas_src>

<mosaic_0001>
#map = affine_map<(d0, d1) -> (0, 0)>
#map1 = affine_map<(d0, d1) -> (0)>
module attributes {stable_mosaic.version = 14 : i64} {
  func.func @_gather_body(%arg0: i32, %arg1: i32, %arg2: memref<1000x256xf32, #tpu.memory_space<hbm>>, %arg3: memref<819200xi32, #tpu.memory_space<hbm>>, %arg4: memref<819200x192xf32, #tpu.memory_space<hbm>>, %arg5: memref<25600xi32, #tpu.memory_space<vmem>>, %arg6: memref<128x256xf32, #tpu.memory_space<vmem>>, %arg7: memref<128x256xf32, #tpu.memory_space<vmem>>, %arg8: memref<128x64xf32, #tpu.memory_space<vmem>>, %arg9: memref<128x64xf32, #tpu.memory_space<vmem>>, %arg10: memref<!tpu.dma_semaphore, #tpu.memory_space<semaphore_mem>>, %arg11: memref<2x!tpu.dma_semaphore, #tpu.memory_space<semaphore_mem>>, %arg12: memref<2x!tpu.dma_semaphore, #tpu.memory_space<semaphore_mem>>) attributes {dimension_semantics = [#tpu.dimension_semantics<core_parallel>, #tpu.dimension_semantics<subcore_parallel>], iteration_bounds = array<i64: 2, 16>, scalar_prefetch = 0 : i64, scratch_operands = 8 : i64, tpu.core_type = #tpu.core_type<sc_vector_subcore>, window_params = [{transform_indices = #map}, {transform_indices = #map1}, {transform_indices = #map}]} {
    %mul3A = arith.constant 16 : i32
    %mul3A_0 = arith.muli %arg0, %mul3A : i32
    %add3A = arith.addi %mul3A_0, %arg1 : i32
    %mul3A_1 = arith.constant 200 : i32
    %mul3A_2 = arith.muli %add3A, %mul3A_1 : i32
    %mul3A_3 = arith.constant 25600 : i32
    %mul3A_4 = arith.muli %add3A, %mul3A_3 : i32
    %dma_start3A = tpu.memref_slice %arg3[%mul3A_4] : memref<819200xi32, #tpu.memory_space<hbm>> -> memref<25600xi32, #tpu.memory_space<hbm>>
    %dma_start3A_5 = tpu.memref_slice %arg3[%mul3A_4] : memref<819200xi32, #tpu.memory_space<hbm>> -> memref<25600xi32, #tpu.memory_space<hbm>>
    tpu.enqueue_dma source(%dma_start3A_5 : memref<25600xi32, #tpu.memory_space<hbm>>) target(%arg5 : memref<25600xi32, #tpu.memory_space<vmem>>) target_semaphore(%arg10 : memref<!tpu.dma_semaphore, #tpu.memory_space<semaphore_mem>>)
    %dma_wait3A = tpu.memref_slice %arg3[%mul3A_4] : memref<819200xi32, #tpu.memory_space<hbm>> -> memref<25600xi32, #tpu.memory_space<hbm>>
    %dma_wait3A_6 = tpu.memref_slice %arg3[%mul3A_4] : memref<819200xi32, #tpu.memory_space<hbm>> -> memref<25600xi32, #tpu.memory_space<hbm>>
    tpu.wait_dma2 semaphore(%arg10 : memref<!tpu.dma_semaphore, #tpu.memory_space<semaphore_mem>>) src(%dma_wait3A_6 : memref<25600xi32, #tpu.memory_space<hbm>>) dst(%arg5 : memref<25600xi32, #tpu.memory_space<vmem>>)
    %dma_start3A_7 = arith.constant 0 : i32
    %dma_start3A_8 = arith.constant 0 : i32
    %dma_start3A_9 = tpu.memref_slice %arg5[%dma_start3A_8] : memref<25600xi32, #tpu.memory_space<vmem>> -> memref<128xi32, #tpu.memory_space<vmem>>
    %dma_start3A_10 = arith.constant 0 : i32
    %dma_start3A_11 = arith.constant 0 : i32
    %dma_start3A_12 = tpu.memref_slice %arg2[%dma_start3A_10, %dma_start3A_11] : memref<1000x256xf32, #tpu.memory_space<hbm>> -> memref<1000x256xf32, #tpu.memory_space<hbm>>
    %dma_start3A_13 = tpu.memref_slice %arg11[%dma_start3A_7] : memref<2x!tpu.dma_semaphore, #tpu.memory_space<semaphore_mem>> -> memref<1x!tpu.dma_semaphore, #tpu.memory_space<semaphore_mem>>
    %dma_start3A_14 = tpu.memref_squeeze %dma_start3A_13 : memref<1x!tpu.dma_semaphore, #tpu.memory_space<semaphore_mem>> -> memref<!tpu.dma_semaphore, #tpu.memory_space<semaphore_mem>>
    tpu.enqueue_indirect_dma source(%dma_start3A_12 : memref<1000x256xf32, #tpu.memory_space<hbm>>) target(%arg6 : memref<128x256xf32, #tpu.memory_space<vmem>>) offsets(%dma_start3A_9 : memref<128xi32, #tpu.memory_space<vmem>>) semaphore(%dma_start3A_14 : memref<!tpu.dma_semaphore, #tpu.memory_space<semaphore_mem>>)
    %dma_start3A_15 = arith.constant 1 : i32
    %dma_start3A_16 = arith.constant 128 : i32
    %dma_start3A_17 = tpu.memref_slice %arg5[%dma_start3A_16] : memref<25600xi32, #tpu.memory_space<vmem>> -> memref<128xi32, #tpu.memory_space<vmem>>
    %dma_start3A_18 = arith.constant 0 : i32
    %dma_start3A_19 = arith.constant 0 : i32
    %dma_start3A_20 = tpu.memref_slice %arg2[%dma_start3A_18, %dma_start3A_19] : memref<1000x256xf32, #tpu.memory_space<hbm>> -> memref<1000x256xf32, #tpu.memory_space<hbm>>
    %dma_start3A_21 = tpu.memref_slice %arg11[%dma_start3A_15] : memref<2x!tpu.dma_semaphore, #tpu.memory_space<semaphore_mem>> -> memref<1x!tpu.dma_semaphore, #tpu.memory_space<semaphore_mem>>
    %dma_start3A_22 = tpu.memref_squeeze %dma_start3A_21 : memref<1x!tpu.dma_semaphore, #tpu.memory_space<semaphore_mem>> -> memref<!tpu.dma_semaphore, #tpu.memory_space<semaphore_mem>>
    tpu.enqueue_indirect_dma source(%dma_start3A_20 : memref<1000x256xf32, #tpu.memory_space<hbm>>) target(%arg7 : memref<128x256xf32, #tpu.memory_space<vmem>>) offsets(%dma_start3A_17 : memref<128xi32, #tpu.memory_space<vmem>>) semaphore(%dma_start3A_22 : memref<!tpu.dma_semaphore, #tpu.memory_space<semaphore_mem>>)
    %scan3A = arith.constant 0 : i32
    %scan3A_23 = arith.constant 99 : i32
    %scan3A_24 = arith.addi %scan3A, %scan3A_23 : i32
    %scan3A_25 = arith.constant 1 : i32
    scf.for %scan3A_145 = %scan3A to %scan3A_24 step %scan3A_25  : i32 {
      %mul3A_146 = arith.constant 1 : i32
      %mul3A_147 = arith.muli %scan3A_145, %mul3A_146 : i32
      %add3A_148 = arith.constant 1 : i32
      %add3A_149 = arith.addi %add3A_148, %mul3A_147 : i32
      %dma_wait3A_150 = arith.constant 0 : i32
      %dma_wait3A_151 = arith.constant 0 : i32
      %dma_wait3A_152 = tpu.memref_slice %arg5[%dma_wait3A_151] : memref<25600xi32, #tpu.memory_space<vmem>> -> memref<128xi32, #tpu.memory_space<vmem>>
      %dma_wait3A_153 = arith.constant 0 : i32
      %dma_wait3A_154 = arith.constant 0 : i32
      %dma_wait3A_155 = tpu.memref_slice %arg2[%dma_wait3A_153, %dma_wait3A_154] : memref<1000x256xf32, #tpu.memory_space<hbm>> -> memref<1000x256xf32, #tpu.memory_space<hbm>>
      %dma_wait3A_156 = tpu.memref_slice %arg11[%dma_wait3A_150] : memref<2x!tpu.dma_semaphore, #tpu.memory_space<semaphore_mem>> -> memref<1x!tpu.dma_semaphore, #tpu.memory_space<semaphore_mem>>
      %dma_wait3A_157 = tpu.memref_squeeze %dma_wait3A_156 : memref<1x!tpu.dma_semaphore, #tpu.memory_space<semaphore_mem>> -> memref<!tpu.dma_semaphore, #tpu.memory_space<semaphore_mem>>
      tpu.wait_indirect_dma semaphore(%dma_wait3A_157 : memref<!tpu.dma_semaphore, #tpu.memory_space<semaphore_mem>>) src(%dma_wait3A_155 : memref<1000x256xf32, #tpu.memory_space<hbm>>) dst(%arg6 : memref<128x256xf32, #tpu.memory_space<vmem>>)
      %scan3A_158 = arith.constant 0 : i32
      %scan3A_159 = arith.constant 128 : i32
      %scan3A_160 = arith.addi %scan3A_158, %scan3A_159 : i32
      %scan3A_161 = arith.constant 1 : i32
      scf.for %scan3A_303 = %scan3A_158 to %scan3A_160 step %scan3A_161  : i32 {
        %mul3A_304 = arith.constant 1 : i32
        %mul3A_305 = arith.muli %scan3A_303, %mul3A_304 : i32
        %add3A_306 = arith.constant 0 : i32
        %add3A_307 = arith.addi %add3A_306, %mul3A_305 : i32
        %get3A = arith.index_cast %add3A_307 : i32 to index
        %get3A_308 = arith.constant 128 : index
        %get3A_309 = tpu.vector_load %arg6[%get3A, %get3A_308] {strides = array<i32>} : memref<128x256xf32, #tpu.memory_space<vmem>>, vector<1x16xf32>,
        %get3A_310 = vector.shape_cast %get3A_309 : vector<1x16xf32> to vector<1x16xf32>
        %swap3A = arith.index_cast %add3A_307 : i32 to index
        %swap3A_311 = arith.constant 0 : index
        %swap3A_312 = tpu.vector_load %arg8[%swap3A, %swap3A_311] {strides = array<i32>} : memref<128x64xf32, #tpu.memory_space<vmem>>, vector<1x16xf32>,
        %swap3A_313 = vector.shape_cast %swap3A_312 : vector<1x16xf32> to vector<1x16xf32>
        %swap3A_314 = vector.shape_cast %get3A_310 : vector<1x16xf32> to vector<1x16xf32>
        tpu.vector_store %arg8[%swap3A, %swap3A_311], %swap3A_314 {strides = array<i32>} : memref<128x64xf32, #tpu.memory_space<vmem>>, vector<1x16xf32>,
        %get3A_315 = arith.index_cast %add3A_307 : i32 to index
        %get3A_316 = arith.constant 144 : index
        %get3A_317 = tpu.vector_load %arg6[%get3A_315, %get3A_316] {strides = array<i32>} : memref<128x256xf32, #tpu.memory_space<vmem>>, vector<1x16xf32>,
        %get3A_318 = vector.shape_cast %get3A_317 : vector<1x16xf32> to vector<1x16xf32>
        %swap3A_319 = arith.index_cast %add3A_307 : i32 to index
        %swap3A_320 = arith.constant 16 : index
        %swap3A_321 = tpu.vector_load %arg8[%swap3A_319, %swap3A_320] {strides = array<i32>} : memref<128x64xf32, #tpu.memory_space<vmem>>, vector<1x16xf32>,
        %swap3A_322 = vector.shape_cast %swap3A_321 : vector<1x16xf32> to vector<1x16xf32>
        %swap3A_323 = vector.shape_cast %get3A_318 : vector<1x16xf32> to vector<1x16xf32>
        tpu.vector_store %arg8[%swap3A_319, %swap3A_320], %swap3A_323 {strides = array<i32>} : memref<128x64xf32, #tpu.memory_space<vmem>>, vector<1x16xf32>,
        %get3A_324 = arith.index_cast %add3A_307 : i32 to index
        %get3A_325 = arith.constant 160 : index
        %get3A_326 = tpu.vector_load %arg6[%get3A_324, %get3A_325] {strides = array<i32>} : memref<128x256xf32, #tpu.memory_space<vmem>>, vector<1x16xf32>,
        %get3A_327 = vector.shape_cast %get3A_326 : vector<1x16xf32> to vector<1x16xf32>
        %swap3A_328 = arith.index_cast %add3A_307 : i32 to index
        %swap3A_329 = arith.constant 32 : index
        %swap3A_330 = tpu.vector_load %arg8[%swap3A_328, %swap3A_329] {strides = array<i32>} : memref<128x64xf32, #tpu.memory_space<vmem>>, vector<1x16xf32>,
        %swap3A_331 = vector.shape_cast %swap3A_330 : vector<1x16xf32> to vector<1x16xf32>
        %swap3A_332 = vector.shape_cast %get3A_327 : vector<1x16xf32> to vector<1x16xf32>
        tpu.vector_store %arg8[%swap3A_328, %swap3A_329], %swap3A_332 {strides = array<i32>} : memref<128x64xf32, #tpu.memory_space<vmem>>, vector<1x16xf32>,
        %get3A_333 = arith.index_cast %add3A_307 : i32 to index
        %get3A_334 = arith.constant 176 : index
        %get3A_335 = tpu.vector_load %arg6[%get3A_333, %get3A_334] {strides = array<i32>} : memref<128x256xf32, #tpu.memory_space<vmem>>, vector<1x16xf32>,
        %get3A_336 = vector.shape_cast %get3A_335 : vector<1x16xf32> to vector<1x16xf32>
        %swap3A_337 = arith.index_cast %add3A_307 : i32 to index
        %swap3A_338 = arith.constant 48 : index
        %swap3A_339 = tpu.vector_load %arg8[%swap3A_337, %swap3A_338] {strides = array<i32>} : memref<128x64xf32, #tpu.memory_space<vmem>>, vector<1x16xf32>,
        %swap3A_340 = vector.shape_cast %swap3A_339 : vector<1x16xf32> to vector<1x16xf32>
        %swap3A_341 = vector.shape_cast %get3A_336 : vector<1x16xf32> to vector<1x16xf32>
        tpu.vector_store %arg8[%swap3A_337, %swap3A_338], %swap3A_341 {strides = array<i32>} : memref<128x64xf32, #tpu.memory_space<vmem>>, vector<1x16xf32>,
      }
      %scan3A_162 = arith.constant 128 : i32
      %sub3A = arith.constant 1 : i32
      %sub3A_163 = arith.subi %add3A_149, %sub3A : i32
      %mul3A_164 = arith.constant 2 : i32
      %mul3A_165 = arith.muli %sub3A_163, %mul3A_164 : i32
      %add3A_166 = arith.constant 0 : i32
      %add3A_167 = arith.addi %mul3A_165, %add3A_166 : i32
      %add3A_168 = arith.addi %mul3A_2, %add3A_167 : i32
      %mul3A_169 = arith.constant 128 : i32
      %mul3A_170 = arith.muli %add3A_168, %mul3A_169 : i32
      %dma_start3A_171 = arith.constant 0 : i32
      %dma_start3A_172 = arith.constant 0 : i32
      %dma_start3A_173 = arith.constant 0 : i32
      %dma_start3A_174 = tpu.memref_slice %arg6[%dma_start3A_172, %dma_start3A_173] : memref<128x256xf32, #tpu.memory_space<vmem>> -> memref<128x128xf32, #tpu.memory_space<vmem>>
      %dma_start3A_175 = arith.constant 0 : i32
      %dma_start3A_176 = tpu.memref_slice %arg4[%mul3A_170, %dma_start3A_175] : memref<819200x192xf32, #tpu.memory_space<hbm>> -> memref<128x128xf32, #tpu.memory_space<hbm>>
      %dma_start3A_177 = tpu.memref_slice %arg12[%dma_start3A_171] : memref<2x!tpu.dma_semaphore, #tpu.memory_space<semaphore_mem>> -> memref<1x!tpu.dma_semaphore, #tpu.memory_space<semaphore_mem>>
      %dma_start3A_178 = tpu.memref_squeeze %dma_start3A_177 : memref<1x!tpu.dma_semaphore, #tpu.memory_space<semaphore_mem>> -> memref<!tpu.dma_semaphore, #tpu.memory_space<semaphore_mem>>
      %dma_start3A_179 = arith.constant 0 : i32
      %dma_start3A_180 = tpu.memref_slice %arg4[%mul3A_170, %dma_start3A_179] : memref<819200x192xf32, #tpu.memory_space<hbm>> -> memref<128x128xf32, #tpu.memory_space<hbm>>
      %dma_start3A_181 = arith.constant 0 : i32
      %dma_start3A_182 = arith.constant 0 : i32
      %dma_start3A_183 = tpu.memref_slice %arg6[%dma_start3A_181, %dma_start3A_182] : memref<128x256xf32, #tpu.memory_space<vmem>> -> memref<128x128xf32, #tpu.memory_space<vmem>>
      tpu.enqueue_dma source(%dma_start3A_183 : memref<128x128xf32, #tpu.memory_space<vmem>>) target(%dma_start3A_180 : memref<128x128xf32, #tpu.memory_space<hbm>>) target_semaphore(%dma_start3A_178 : memref<!tpu.dma_semaphore, #tpu.memory_space<semaphore_mem>>)
      %dma_start3A_184 = arith.constant 0 : i32
      %dma_start3A_185 = arith.constant 128 : i32
      %dma_start3A_186 = tpu.memref_slice %arg4[%mul3A_170, %dma_start3A_185] : memref<819200x192xf32, #tpu.memory_space<hbm>> -> memref<128x64xf32, #tpu.memory_space<hbm>>
      %dma_start3A_187 = tpu.memref_slice %arg12[%dma_start3A_184] : memref<2x!tpu.dma_semaphore, #tpu.memory_space<semaphore_mem>> -> memref<1x!tpu.dma_semaphore, #tpu.memory_space<semaphore_mem>>
      %dma_start3A_188 = tpu.memref_squeeze %dma_start3A_187 : memref<1x!tpu.dma_semaphore, #tpu.memory_space<semaphore_mem>> -> memref<!tpu.dma_semaphore, #tpu.memory_space<semaphore_mem>>
      %dma_start3A_189 = arith.constant 128 : i32
      %dma_start3A_190 = tpu.memref_slice %arg4[%mul3A_170, %dma_start3A_189] : memref<819200x192xf32, #tpu.memory_space<hbm>> -> memref<128x64xf32, #tpu.memory_space<hbm>>
      tpu.enqueue_dma source(%arg8 : memref<128x64xf32, #tpu.memory_space<vmem>>) target(%dma_start3A_190 : memref<128x64xf32, #tpu.memory_space<hbm>>) target_semaphore(%dma_start3A_188 : memref<!tpu.dma_semaphore, #tpu.memory_space<semaphore_mem>>)
      %dma_wait3A_191 = arith.constant 1 : i32
      %dma_wait3A_192 = arith.constant 0 : i32
      %dma_wait3A_193 = tpu.memref_slice %arg5[%dma_wait3A_192] : memref<25600xi32, #tpu.memory_space<vmem>> -> memref<128xi32, #tpu.memory_space<vmem>>
      %dma_wait3A_194 = arith.constant 0 : i32
      %dma_wait3A_195 = arith.constant 0 : i32
      %dma_wait3A_196 = tpu.memref_slice %arg2[%dma_wait3A_194, %dma_wait3A_195] : memref<1000x256xf32, #tpu.memory_space<hbm>> -> memref<1000x256xf32, #tpu.memory_space<hbm>>
      %dma_wait3A_197 = tpu.memref_slice %arg11[%dma_wait3A_191] : memref<2x!tpu.dma_semaphore, #tpu.memory_space<semaphore_mem>> -> memref<1x!tpu.dma_semaphore, #tpu.memory_space<semaphore_mem>>
      %dma_wait3A_198 = tpu.memref_squeeze %dma_wait3A_197 : memref<1x!tpu.dma_semaphore, #tpu.memory_space<semaphore_mem>> -> memref<!tpu.dma_semaphore, #tpu.memory_space<semaphore_mem>>
      tpu.wait_indirect_dma semaphore(%dma_wait3A_198 : memref<!tpu.dma_semaphore, #tpu.memory_space<semaphore_mem>>) src(%dma_wait3A_196 : memref<1000x256xf32, #tpu.memory_space<hbm>>) dst(%arg7 : memref<128x256xf32, #tpu.memory_space<vmem>>)
      %scan3A_199 = arith.constant 0 : i32
      %scan3A_200 = arith.constant 128 : i32
      %scan3A_201 = arith.addi %scan3A_199, %scan3A_200 : i32
      %scan3A_202 = arith.constant 1 : i32
      scf.for %scan3A_303 = %scan3A_199 to %scan3A_201 step %scan3A_202  : i32 {
        %mul3A_304 = arith.constant 1 : i32
        %mul3A_305 = arith.muli %scan3A_303, %mul3A_304 : i32
        %add3A_306 = arith.constant 0 : i32
        %add3A_307 = arith.addi %add3A_306, %mul3A_305 : i32
        %get3A = arith.index_cast %add3A_307 : i32 to index
        %get3A_308 = arith.constant 128 : index
        %get3A_309 = tpu.vector_load %arg7[%get3A, %get3A_308] {strides = array<i32>} : memref<128x256xf32, #tpu.memory_space<vmem>>, vector<1x16xf32>,
        %get3A_310 = vector.shape_cast %get3A_309 : vector<1x16xf32> to vector<1x16xf32>
        %swap3A = arith.index_cast %add3A_307 : i32 to index
        %swap3A_311 = arith.constant 0 : index
        %swap3A_312 = tpu.vector_load %arg9[%swap3A, %swap3A_311] {strides = array<i32>} : memref<128x64xf32, #tpu.memory_space<vmem>>, vector<1x16xf32>,
        %swap3A_313 = vector.shape_cast %swap3A_312 : vector<1x16xf32> to vector<1x16xf32>
        %swap3A_314 = vector.shape_cast %get3A_310 : vector<1x16xf32> to vector<1x16xf32>
        tpu.vector_store %arg9[%swap3A, %swap3A_311], %swap3A_314 {strides = array<i32>} : memref<128x64xf32, #tpu.memory_space<vmem>>, vector<1x16xf32>,
        %get3A_315 = arith.index_cast %add3A_307 : i32 to index
        %get3A_316 = arith.constant 144 : index
        %get3A_317 = tpu.vector_load %arg7[%get3A_315, %get3A_316] {strides = array<i32>} : memref<128x256xf32, #tpu.memory_space<vmem>>, vector<1x16xf32>,
        %get3A_318 = vector.shape_cast %get3A_317 : vector<1x16xf32> to vector<1x16xf32>
        %swap3A_319 = arith.index_cast %add3A_307 : i32 to index
        %swap3A_320 = arith.constant 16 : index
        %swap3A_321 = tpu.vector_load %arg9[%swap3A_319, %swap3A_320] {strides = array<i32>} : memref<128x64xf32, #tpu.memory_space<vmem>>, vector<1x16xf32>,
        %swap3A_322 = vector.shape_cast %swap3A_321 : vector<1x16xf32> to vector<1x16xf32>
        %swap3A_323 = vector.shape_cast %get3A_318 : vector<1x16xf32> to vector<1x16xf32>
        tpu.vector_store %arg9[%swap3A_319, %swap3A_320], %swap3A_323 {strides = array<i32>} : memref<128x64xf32, #tpu.memory_space<vmem>>, vector<1x16xf32>,
        %get3A_324 = arith.index_cast %add3A_307 : i32 to index
        %get3A_325 = arith.constant 160 : index
        %get3A_326 = tpu.vector_load %arg7[%get3A_324, %get3A_325] {strides = array<i32>} : memref<128x256xf32, #tpu.memory_space<vmem>>, vector<1x16xf32>,
        %get3A_327 = vector.shape_cast %get3A_326 : vector<1x16xf32> to vector<1x16xf32>
        %swap3A_328 = arith.index_cast %add3A_307 : i32 to index
        %swap3A_329 = arith.constant 32 : index
        %swap3A_330 = tpu.vector_load %arg9[%swap3A_328, %swap3A_329] {strides = array<i32>} : memref<128x64xf32, #tpu.memory_space<vmem>>, vector<1x16xf32>,
        %swap3A_331 = vector.shape_cast %swap3A_330 : vector<1x16xf32> to vector<1x16xf32>
        %swap3A_332 = vector.shape_cast %get3A_327 : vector<1x16xf32> to vector<1x16xf32>
        tpu.vector_store %arg9[%swap3A_328, %swap3A_329], %swap3A_332 {strides = array<i32>} : memref<128x64xf32, #tpu.memory_space<vmem>>, vector<1x16xf32>,
        %get3A_333 = arith.index_cast %add3A_307 : i32 to index
        %get3A_334 = arith.constant 176 : index
        %get3A_335 = tpu.vector_load %arg7[%get3A_333, %get3A_334] {strides = array<i32>} : memref<128x256xf32, #tpu.memory_space<vmem>>, vector<1x16xf32>,
        %get3A_336 = vector.shape_cast %get3A_335 : vector<1x16xf32> to vector<1x16xf32>
        %swap3A_337 = arith.index_cast %add3A_307 : i32 to index
        %swap3A_338 = arith.constant 48 : index
        %swap3A_339 = tpu.vector_load %arg9[%swap3A_337, %swap3A_338] {strides = array<i32>} : memref<128x64xf32, #tpu.memory_space<vmem>>, vector<1x16xf32>,
        %swap3A_340 = vector.shape_cast %swap3A_339 : vector<1x16xf32> to vector<1x16xf32>
        %swap3A_341 = vector.shape_cast %get3A_336 : vector<1x16xf32> to vector<1x16xf32>
        tpu.vector_store %arg9[%swap3A_337, %swap3A_338], %swap3A_341 {strides = array<i32>} : memref<128x64xf32, #tpu.memory_space<vmem>>, vector<1x16xf32>,
      }
      %scan3A_203 = arith.constant 128 : i32
      %sub3A_204 = arith.constant 1 : i32
      %sub3A_205 = arith.subi %add3A_149, %sub3A_204 : i32
      %mul3A_206 = arith.constant 2 : i32
      %mul3A_207 = arith.muli %sub3A_205, %mul3A_206 : i32
      %add3A_208 = arith.constant 1 : i32
      %add3A_209 = arith.addi %mul3A_207, %add3A_208 : i32
      %add3A_210 = arith.addi %mul3A_2, %add3A_209 : i32
      %mul3A_211 = arith.constant 128 : i32
      %mul3A_212 = arith.muli %add3A_210, %mul3A_211 : i32
      %dma_start3A_213 = arith.constant 1 : i32
      %dma_start3A_214 = arith.constant 0 : i32
      %dma_start3A_215 = arith.constant 0 : i32
      %dma_start3A_216 = tpu.memref_slice %arg7[%dma_start3A_214, %dma_start3A_215] : memref<128x256xf32, #tpu.memory_space<vmem>> -> memref<128x128xf32, #tpu.memory_space<vmem>>
      %dma_start3A_217 = arith.constant 0 : i32
      %dma_start3A_218 = tpu.memref_slice %arg4[%mul3A_212, %dma_start3A_217] : memref<819200x192xf32, #tpu.memory_space<hbm>> -> memref<128x128xf32, #tpu.memory_space<hbm>>
      %dma_start3A_219 = tpu.memref_slice %arg12[%dma_start3A_213] : memref<2x!tpu.dma_semaphore, #tpu.memory_space<semaphore_mem>> -> memref<1x!tpu.dma_semaphore, #tpu.memory_space<semaphore_mem>>
      %dma_start3A_220 = tpu.memref_squeeze %dma_start3A_219 : memref<1x!tpu.dma_semaphore, #tpu.memory_space<semaphore_mem>> -> memref<!tpu.dma_semaphore, #tpu.memory_space<semaphore_mem>>
      %dma_start3A_221 = arith.constant 0 : i32
      %dma_start3A_222 = tpu.memref_slice %arg4[%mul3A_212, %dma_start3A_221] : memref<819200x192xf32, #tpu.memory_space<hbm>> -> memref<128x128xf32, #tpu.memory_space<hbm>>
      %dma_start3A_223 = arith.constant 0 : i32
      %dma_start3A_224 = arith.constant 0 : i32
      %dma_start3A_225 = tpu.memref_slice %arg7[%dma_start3A_223, %dma_start3A_224] : memref<128x256xf32, #tpu.memory_space<vmem>> -> memref<128x128xf32, #tpu.memory_space<vmem>>
      tpu.enqueue_dma source(%dma_start3A_225 : memref<128x128xf32, #tpu.memory_space<vmem>>) target(%dma_start3A_222 : memref<128x128xf32, #tpu.memory_space<hbm>>) target_semaphore(%dma_start3A_220 : memref<!tpu.dma_semaphore, #tpu.memory_space<semaphore_mem>>)
      %dma_start3A_226 = arith.constant 1 : i32
      %dma_start3A_227 = arith.constant 128 : i32
      %dma_start3A_228 = tpu.memref_slice %arg4[%mul3A_212, %dma_start3A_227] : memref<819200x192xf32, #tpu.memory_space<hbm>> -> memref<128x64xf32, #tpu.memory_space<hbm>>
      %dma_start3A_229 = tpu.memref_slice %arg12[%dma_start3A_226] : memref<2x!tpu.dma_semaphore, #tpu.memory_space<semaphore_mem>> -> memref<1x!tpu.dma_semaphore, #tpu.memory_space<semaphore_mem>>
      %dma_start3A_230 = tpu.memref_squeeze %dma_start3A_229 : memref<1x!tpu.dma_semaphore, #tpu.memory_space<semaphore_mem>> -> memref<!tpu.dma_semaphore, #tpu.memory_space<semaphore_mem>>
      %dma_start3A_231 = arith.constant 128 : i32
      %dma_start3A_232 = tpu.memref_slice %arg4[%mul3A_212, %dma_start3A_231] : memref<819200x192xf32, #tpu.memory_space<hbm>> -> memref<128x64xf32, #tpu.memory_space<hbm>>
      tpu.enqueue_dma source(%arg9 : memref<128x64xf32, #tpu.memory_space<vmem>>) target(%dma_start3A_232 : memref<128x64xf32, #tpu.memory_space<hbm>>) target_semaphore(%dma_start3A_230 : memref<!tpu.dma_semaphore, #tpu.memory_space<semaphore_mem>>)
      %mul3A_233 = arith.constant 128 : i32
      %mul3A_234 = arith.muli %mul3A_2, %mul3A_233 : i32
      %dma_wait3A_235 = arith.constant 0 : i32
      %dma_wait3A_236 = arith.constant 0 : i32
      %dma_wait3A_237 = arith.constant 0 : i32
      %dma_wait3A_238 = tpu.memref_slice %arg6[%dma_wait3A_236, %dma_wait3A_237] : memref<128x256xf32, #tpu.memory_space<vmem>> -> memref<128x128xf32, #tpu.memory_space<vmem>>
      %dma_wait3A_239 = arith.constant 0 : i32
      %dma_wait3A_240 = tpu.memref_slice %arg4[%mul3A_234, %dma_wait3A_239] : memref<819200x192xf32, #tpu.memory_space<hbm>> -> memref<128x128xf32, #tpu.memory_space<hbm>>
      %dma_wait3A_241 = tpu.memref_slice %arg12[%dma_wait3A_235] : memref<2x!tpu.dma_semaphore, #tpu.memory_space<semaphore_mem>> -> memref<1x!tpu.dma_semaphore, #tpu.memory_space<semaphore_mem>>
      %dma_wait3A_242 = tpu.memref_squeeze %dma_wait3A_241 : memref<1x!tpu.dma_semaphore, #tpu.memory_space<semaphore_mem>> -> memref<!tpu.dma_semaphore, #tpu.memory_space<semaphore_mem>>
      %dma_wait3A_243 = arith.constant 0 : i32
      %dma_wait3A_244 = tpu.memref_slice %arg4[%mul3A_234, %dma_wait3A_243] : memref<819200x192xf32, #tpu.memory_space<hbm>> -> memref<128x128xf32, #tpu.memory_space<hbm>>
      %dma_wait3A_245 = arith.constant 0 : i32
      %dma_wait3A_246 = arith.constant 0 : i32
      %dma_wait3A_247 = tpu.memref_slice %arg6[%dma_wait3A_245, %dma_wait3A_246] : memref<128x256xf32, #tpu.memory_space<vmem>> -> memref<128x128xf32, #tpu.memory_space<vmem>>
      tpu.wait_dma2 semaphore(%dma_wait3A_242 : memref<!tpu.dma_semaphore, #tpu.memory_space<semaphore_mem>>) src(%dma_wait3A_247 : memref<128x128xf32, #tpu.memory_space<vmem>>) dst(%dma_wait3A_244 : memref<128x128xf32, #tpu.memory_space<hbm>>)
      %dma_wait3A_248 = arith.constant 0 : i32
      %dma_wait3A_249 = arith.constant 128 : i32
      %dma_wait3A_250 = tpu.memref_slice %arg4[%mul3A_234, %dma_wait3A_249] : memref<819200x192xf32, #tpu.memory_space<hbm>> -> memref<128x64xf32, #tpu.memory_space<hbm>>
      %dma_wait3A_251 = tpu.memref_slice %arg12[%dma_wait3A_248] : memref<2x!tpu.dma_semaphore, #tpu.memory_space<semaphore_mem>> -> memref<1x!tpu.dma_semaphore, #tpu.memory_space<semaphore_mem>>
      %dma_wait3A_252 = tpu.memref_squeeze %dma_wait3A_251 : memref<1x!tpu.dma_semaphore, #tpu.memory_space<semaphore_mem>> -> memref<!tpu.dma_semaphore, #tpu.memory_space<semaphore_mem>>
      %dma_wait3A_253 = arith.constant 128 : i32
      %dma_wait3A_254 = tpu.memref_slice %arg4[%mul3A_234, %dma_wait3A_253] : memref<819200x192xf32, #tpu.memory_space<hbm>> -> memref<128x64xf32, #tpu.memory_space<hbm>>
      tpu.wait_dma2 semaphore(%dma_wait3A_252 : memref<!tpu.dma_semaphore, #tpu.memory_space<semaphore_mem>>) src(%arg8 : memref<128x64xf32, #tpu.memory_space<vmem>>) dst(%dma_wait3A_254 : memref<128x64xf32, #tpu.memory_space<hbm>>)
      %mul3A_255 = arith.constant 2 : i32
      %mul3A_256 = arith.muli %add3A_149, %mul3A_255 : i32
      %add3A_257 = arith.constant 0 : i32
      %add3A_258 = arith.addi %mul3A_256, %add3A_257 : i32
      %mul3A_259 = arith.constant 128 : i32
      %mul3A_260 = arith.muli %add3A_258, %mul3A_259 : i32
      %dma_start3A_261 = arith.constant 0 : i32
      %dma_start3A_262 = tpu.memref_slice %arg5[%mul3A_260] : memref<25600xi32, #tpu.memory_space<vmem>> -> memref<128xi32, #tpu.memory_space<vmem>>
      %dma_start3A_263 = arith.constant 0 : i32
      %dma_start3A_264 = arith.constant 0 : i32
      %dma_start3A_265 = tpu.memref_slice %arg2[%dma_start3A_263, %dma_start3A_264] : memref<1000x256xf32, #tpu.memory_space<hbm>> -> memref<1000x256xf32, #tpu.memory_space<hbm>>
      %dma_start3A_266 = tpu.memref_slice %arg11[%dma_start3A_261] : memref<2x!tpu.dma_semaphore, #tpu.memory_space<semaphore_mem>> -> memref<1x!tpu.dma_semaphore, #tpu.memory_space<semaphore_mem>>
      %dma_start3A_267 = tpu.memref_squeeze %dma_start3A_266 : memref<1x!tpu.dma_semaphore, #tpu.memory_space<semaphore_mem>> -> memref<!tpu.dma_semaphore, #tpu.memory_space<semaphore_mem>>
      tpu.enqueue_indirect_dma source(%dma_start3A_265 : memref<1000x256xf32, #tpu.memory_space<hbm>>) target(%arg6 : memref<128x256xf32, #tpu.memory_space<vmem>>) offsets(%dma_start3A_262 : memref<128xi32, #tpu.memory_space<vmem>>) semaphore(%dma_start3A_267 : memref<!tpu.dma_semaphore, #tpu.memory_space<semaphore_mem>>)
      %mul3A_268 = arith.constant 128 : i32
      %mul3A_269 = arith.muli %mul3A_2, %mul3A_268 : i32
      %dma_wait3A_270 = arith.constant 1 : i32
      %dma_wait3A_271 = arith.constant 0 : i32
      %dma_wait3A_272 = arith.constant 0 : i32
      %dma_wait3A_273 = tpu.memref_slice %arg7[%dma_wait3A_271, %dma_wait3A_272] : memref<128x256xf32, #tpu.memory_space<vmem>> -> memref<128x128xf32, #tpu.memory_space<vmem>>
      %dma_wait3A_274 = arith.constant 0 : i32
      %dma_wait3A_275 = tpu.memref_slice %arg4[%mul3A_269, %dma_wait3A_274] : memref<819200x192xf32, #tpu.memory_space<hbm>> -> memref<128x128xf32, #tpu.memory_space<hbm>>
      %dma_wait3A_276 = tpu.memref_slice %arg12[%dma_wait3A_270] : memref<2x!tpu.dma_semaphore, #tpu.memory_space<semaphore_mem>> -> memref<1x!tpu.dma_semaphore, #tpu.memory_space<semaphore_mem>>
      %dma_wait3A_277 = tpu.memref_squeeze %dma_wait3A_276 : memref<1x!tpu.dma_semaphore, #tpu.memory_space<semaphore_mem>> -> memref<!tpu.dma_semaphore, #tpu.memory_space<semaphore_mem>>
      %dma_wait3A_278 = arith.constant 0 : i32
      %dma_wait3A_279 = tpu.memref_slice %arg4[%mul3A_269, %dma_wait3A_278] : memref<819200x192xf32, #tpu.memory_space<hbm>> -> memref<128x128xf32, #tpu.memory_space<hbm>>
      %dma_wait3A_280 = arith.constant 0 : i32
      %dma_wait3A_281 = arith.constant 0 : i32
      %dma_wait3A_282 = tpu.memref_slice %arg7[%dma_wait3A_280, %dma_wait3A_281] : memref<128x256xf32, #tpu.memory_space<vmem>> -> memref<128x128xf32, #tpu.memory_space<vmem>>
      tpu.wait_dma2 semaphore(%dma_wait3A_277 : memref<!tpu.dma_semaphore, #tpu.memory_space<semaphore_mem>>) src(%dma_wait3A_282 : memref<128x128xf32, #tpu.memory_space<vmem>>) dst(%dma_wait3A_279 : memref<128x128xf32, #tpu.memory_space<hbm>>)
      %dma_wait3A_283 = arith.constant 1 : i32
      %dma_wait3A_284 = arith.constant 128 : i32
      %dma_wait3A_285 = tpu.memref_slice %arg4[%mul3A_269, %dma_wait3A_284] : memref<819200x192xf32, #tpu.memory_space<hbm>> -> memref<128x64xf32, #tpu.memory_space<hbm>>
      %dma_wait3A_286 = tpu.memref_slice %arg12[%dma_wait3A_283] : memref<2x!tpu.dma_semaphore, #tpu.memory_space<semaphore_mem>> -> memref<1x!tpu.dma_semaphore, #tpu.memory_space<semaphore_mem>>
      %dma_wait3A_287 = tpu.memref_squeeze %dma_wait3A_286 : memref<1x!tpu.dma_semaphore, #tpu.memory_space<semaphore_mem>> -> memref<!tpu.dma_semaphore, #tpu.memory_space<semaphore_mem>>
      %dma_wait3A_288 = arith.constant 128 : i32
      %dma_wait3A_289 = tpu.memref_slice %arg4[%mul3A_269, %dma_wait3A_288] : memref<819200x192xf32, #tpu.memory_space<hbm>> -> memref<128x64xf32, #tpu.memory_space<hbm>>
      tpu.wait_dma2 semaphore(%dma_wait3A_287 : memref<!tpu.dma_semaphore, #tpu.memory_space<semaphore_mem>>) src(%arg9 : memref<128x64xf32, #tpu.memory_space<vmem>>) dst(%dma_wait3A_289 : memref<128x64xf32, #tpu.memory_space<hbm>>)
      %mul3A_290 = arith.constant 2 : i32
      %mul3A_291 = arith.muli %add3A_149, %mul3A_290 : i32
      %add3A_292 = arith.constant 1 : i32
      %add3A_293 = arith.addi %mul3A_291, %add3A_292 : i32
      %mul3A_294 = arith.constant 128 : i32
      %mul3A_295 = arith.muli %add3A_293, %mul3A_294 : i32
      %dma_start3A_296 = arith.constant 1 : i32
      %dma_start3A_297 = tpu.memref_slice %arg5[%mul3A_295] : memref<25600xi32, #tpu.memory_space<vmem>> -> memref<128xi32, #tpu.memory_space<vmem>>
      %dma_start3A_298 = arith.constant 0 : i32
      %dma_start3A_299 = arith.constant 0 : i32
      %dma_start3A_300 = tpu.memref_slice %arg2[%dma_start3A_298, %dma_start3A_299] : memref<1000x256xf32, #tpu.memory_space<hbm>> -> memref<1000x256xf32, #tpu.memory_space<hbm>>
      %dma_start3A_301 = tpu.memref_slice %arg11[%dma_start3A_296] : memref<2x!tpu.dma_semaphore, #tpu.memory_space<semaphore_mem>> -> memref<1x!tpu.dma_semaphore, #tpu.memory_space<semaphore_mem>>
      %dma_start3A_302 = tpu.memref_squeeze %dma_start3A_301 : memref<1x!tpu.dma_semaphore, #tpu.memory_space<semaphore_mem>> -> memref<!tpu.dma_semaphore, #tpu.memory_space<semaphore_mem>>
      tpu.enqueue_indirect_dma source(%dma_start3A_300 : memref<1000x256xf32, #tpu.memory_space<hbm>>) target(%arg7 : memref<128x256xf32, #tpu.memory_space<vmem>>) offsets(%dma_start3A_297 : memref<128xi32, #tpu.memory_space<vmem>>) semaphore(%dma_start3A_302 : memref<!tpu.dma_semaphore, #tpu.memory_space<semaphore_mem>>)
    }
    %scan3A_26 = arith.constant 99 : i32
    %dma_wait3A_27 = arith.constant 0 : i32
    %dma_wait3A_28 = arith.constant 0 : i32
    %dma_wait3A_29 = tpu.memref_slice %arg5[%dma_wait3A_28] : memref<25600xi32, #tpu.memory_space<vmem>> -> memref<128xi32, #tpu.memory_space<vmem>>
    %dma_wait3A_30 = arith.constant 0 : i32
    %dma_wait3A_31 = arith.constant 0 : i32
    %dma_wait3A_32 = tpu.memref_slice %arg2[%dma_wait3A_30, %dma_wait3A_31] : memref<1000x256xf32, #tpu.memory_space<hbm>> -> memref<1000x256xf32, #tpu.memory_space<hbm>>
    %dma_wait3A_33 = tpu.memref_slice %arg11[%dma_wait3A_27] : memref<2x!tpu.dma_semaphore, #tpu.memory_space<semaphore_mem>> -> memref<1x!tpu.dma_semaphore, #tpu.memory_space<semaphore_mem>>
    %dma_wait3A_34 = tpu.memref_squeeze %dma_wait3A_33 : memref<1x!tpu.dma_semaphore, #tpu.memory_space<semaphore_mem>> -> memref<!tpu.dma_semaphore, #tpu.memory_space<semaphore_mem>>
    tpu.wait_indirect_dma semaphore(%dma_wait3A_34 : memref<!tpu.dma_semaphore, #tpu.memory_space<semaphore_mem>>) src(%dma_wait3A_32 : memref<1000x256xf32, #tpu.memory_space<hbm>>) dst(%arg6 : memref<128x256xf32, #tpu.memory_space<vmem>>)
    %scan3A_35 = arith.constant 0 : i32
    %scan3A_36 = arith.constant 128 : i32
    %scan3A_37 = arith.addi %scan3A_35, %scan3A_36 : i32
    %scan3A_38 = arith.constant 1 : i32
    scf.for %scan3A_145 = %scan3A_35 to %scan3A_37 step %scan3A_38  : i32 {
      %mul3A_146 = arith.constant 1 : i32
      %mul3A_147 = arith.muli %scan3A_145, %mul3A_146 : i32
      %add3A_148 = arith.constant 0 : i32
      %add3A_149 = arith.addi %add3A_148, %mul3A_147 : i32
      %get3A = arith.index_cast %add3A_149 : i32 to index
      %get3A_150 = arith.constant 128 : index
      %get3A_151 = tpu.vector_load %arg6[%get3A, %get3A_150] {strides = array<i32>} : memref<128x256xf32, #tpu.memory_space<vmem>>, vector<1x16xf32>,
      %get3A_152 = vector.shape_cast %get3A_151 : vector<1x16xf32> to vector<1x16xf32>
      %swap3A = arith.index_cast %add3A_149 : i32 to index
      %swap3A_153 = arith.constant 0 : index
      %swap3A_154 = tpu.vector_load %arg8[%swap3A, %swap3A_153] {strides = array<i32>} : memref<128x64xf32, #tpu.memory_space<vmem>>, vector<1x16xf32>,
      %swap3A_155 = vector.shape_cast %swap3A_154 : vector<1x16xf32> to vector<1x16xf32>
      %swap3A_156 = vector.shape_cast %get3A_152 : vector<1x16xf32> to vector<1x16xf32>
      tpu.vector_store %arg8[%swap3A, %swap3A_153], %swap3A_156 {strides = array<i32>} : memref<128x64xf32, #tpu.memory_space<vmem>>, vector<1x16xf32>,
      %get3A_157 = arith.index_cast %add3A_149 : i32 to index
      %get3A_158 = arith.constant 144 : index
      %get3A_159 = tpu.vector_load %arg6[%get3A_157, %get3A_158] {strides = array<i32>} : memref<128x256xf32, #tpu.memory_space<vmem>>, vector<1x16xf32>,
      %get3A_160 = vector.shape_cast %get3A_159 : vector<1x16xf32> to vector<1x16xf32>
      %swap3A_161 = arith.index_cast %add3A_149 : i32 to index
      %swap3A_162 = arith.constant 16 : index
      %swap3A_163 = tpu.vector_load %arg8[%swap3A_161, %swap3A_162] {strides = array<i32>} : memref<128x64xf32, #tpu.memory_space<vmem>>, vector<1x16xf32>,
      %swap3A_164 = vector.shape_cast %swap3A_163 : vector<1x16xf32> to vector<1x16xf32>
      %swap3A_165 = vector.shape_cast %get3A_160 : vector<1x16xf32> to vector<1x16xf32>
      tpu.vector_store %arg8[%swap3A_161, %swap3A_162], %swap3A_165 {strides = array<i32>} : memref<128x64xf32, #tpu.memory_space<vmem>>, vector<1x16xf32>,
      %get3A_166 = arith.index_cast %add3A_149 : i32 to index
      %get3A_167 = arith.constant 160 : index
      %get3A_168 = tpu.vector_load %arg6[%get3A_166, %get3A_167] {strides = array<i32>} : memref<128x256xf32, #tpu.memory_space<vmem>>, vector<1x16xf32>,
      %get3A_169 = vector.shape_cast %get3A_168 : vector<1x16xf32> to vector<1x16xf32>
      %swap3A_170 = arith.index_cast %add3A_149 : i32 to index
      %swap3A_171 = arith.constant 32 : index
      %swap3A_172 = tpu.vector_load %arg8[%swap3A_170, %swap3A_171] {strides = array<i32>} : memref<128x64xf32, #tpu.memory_space<vmem>>, vector<1x16xf32>,
      %swap3A_173 = vector.shape_cast %swap3A_172 : vector<1x16xf32> to vector<1x16xf32>
      %swap3A_174 = vector.shape_cast %get3A_169 : vector<1x16xf32> to vector<1x16xf32>
      tpu.vector_store %arg8[%swap3A_170, %swap3A_171], %swap3A_174 {strides = array<i32>} : memref<128x64xf32, #tpu.memory_space<vmem>>, vector<1x16xf32>,
      %get3A_175 = arith.index_cast %add3A_149 : i32 to index
      %get3A_176 = arith.constant 176 : index
      %get3A_177 = tpu.vector_load %arg6[%get3A_175, %get3A_176] {strides = array<i32>} : memref<128x256xf32, #tpu.memory_space<vmem>>, vector<1x16xf32>,
      %get3A_178 = vector.shape_cast %get3A_177 : vector<1x16xf32> to vector<1x16xf32>
      %swap3A_179 = arith.index_cast %add3A_149 : i32 to index
      %swap3A_180 = arith.constant 48 : index
      %swap3A_181 = tpu.vector_load %arg8[%swap3A_179, %swap3A_180] {strides = array<i32>} : memref<128x64xf32, #tpu.memory_space<vmem>>, vector<1x16xf32>,
      %swap3A_182 = vector.shape_cast %swap3A_181 : vector<1x16xf32> to vector<1x16xf32>
      %swap3A_183 = vector.shape_cast %get3A_178 : vector<1x16xf32> to vector<1x16xf32>
      tpu.vector_store %arg8[%swap3A_179, %swap3A_180], %swap3A_183 {strides = array<i32>} : memref<128x64xf32, #tpu.memory_space<vmem>>, vector<1x16xf32>,
    }
    %scan3A_39 = arith.constant 128 : i32
    %add3A_40 = arith.constant 198 : i32
    %add3A_41 = arith.addi %mul3A_2, %add3A_40 : i32
    %mul3A_42 = arith.constant 128 : i32
    %mul3A_43 = arith.muli %add3A_41, %mul3A_42 : i32
    %dma_start3A_44 = arith.constant 0 : i32
    %dma_start3A_45 = arith.constant 0 : i32
    %dma_start3A_46 = arith.constant 0 : i32
    %dma_start3A_47 = tpu.memref_slice %arg6[%dma_start3A_45, %dma_start3A_46] : memref<128x256xf32, #tpu.memory_space<vmem>> -> memref<128x128xf32, #tpu.memory_space<vmem>>
    %dma_start3A_48 = arith.constant 0 : i32
    %dma_start3A_49 = tpu.memref_slice %arg4[%mul3A_43, %dma_start3A_48] : memref<819200x192xf32, #tpu.memory_space<hbm>> -> memref<128x128xf32, #tpu.memory_space<hbm>>
    %dma_start3A_50 = tpu.memref_slice %arg12[%dma_start3A_44] : memref<2x!tpu.dma_semaphore, #tpu.memory_space<semaphore_mem>> -> memref<1x!tpu.dma_semaphore, #tpu.memory_space<semaphore_mem>>
    %dma_start3A_51 = tpu.memref_squeeze %dma_start3A_50 : memref<1x!tpu.dma_semaphore, #tpu.memory_space<semaphore_mem>> -> memref<!tpu.dma_semaphore, #tpu.memory_space<semaphore_mem>>
    %dma_start3A_52 = arith.constant 0 : i32
    %dma_start3A_53 = tpu.memref_slice %arg4[%mul3A_43, %dma_start3A_52] : memref<819200x192xf32, #tpu.memory_space<hbm>> -> memref<128x128xf32, #tpu.memory_space<hbm>>
    %dma_start3A_54 = arith.constant 0 : i32
    %dma_start3A_55 = arith.constant 0 : i32
    %dma_start3A_56 = tpu.memref_slice %arg6[%dma_start3A_54, %dma_start3A_55] : memref<128x256xf32, #tpu.memory_space<vmem>> -> memref<128x128xf32, #tpu.memory_space<vmem>>
    tpu.enqueue_dma source(%dma_start3A_56 : memref<128x128xf32, #tpu.memory_space<vmem>>) target(%dma_start3A_53 : memref<128x128xf32, #tpu.memory_space<hbm>>) target_semaphore(%dma_start3A_51 : memref<!tpu.dma_semaphore, #tpu.memory_space<semaphore_mem>>)
    %dma_start3A_57 = arith.constant 0 : i32
    %dma_start3A_58 = arith.constant 128 : i32
    %dma_start3A_59 = tpu.memref_slice %arg4[%mul3A_43, %dma_start3A_58] : memref<819200x192xf32, #tpu.memory_space<hbm>> -> memref<128x64xf32, #tpu.memory_space<hbm>>
    %dma_start3A_60 = tpu.memref_slice %arg12[%dma_start3A_57] : memref<2x!tpu.dma_semaphore, #tpu.memory_space<semaphore_mem>> -> memref<1x!tpu.dma_semaphore, #tpu.memory_space<semaphore_mem>>
    %dma_start3A_61 = tpu.memref_squeeze %dma_start3A_60 : memref<1x!tpu.dma_semaphore, #tpu.memory_space<semaphore_mem>> -> memref<!tpu.dma_semaphore, #tpu.memory_space<semaphore_mem>>
    %dma_start3A_62 = arith.constant 128 : i32
    %dma_start3A_63 = tpu.memref_slice %arg4[%mul3A_43, %dma_start3A_62] : memref<819200x192xf32, #tpu.memory_space<hbm>> -> memref<128x64xf32, #tpu.memory_space<hbm>>
    tpu.enqueue_dma source(%arg8 : memref<128x64xf32, #tpu.memory_space<vmem>>) target(%dma_start3A_63 : memref<128x64xf32, #tpu.memory_space<hbm>>) target_semaphore(%dma_start3A_61 : memref<!tpu.dma_semaphore, #tpu.memory_space<semaphore_mem>>)
    %dma_wait3A_64 = arith.constant 1 : i32
    %dma_wait3A_65 = arith.constant 0 : i32
    %dma_wait3A_66 = tpu.memref_slice %arg5[%dma_wait3A_65] : memref<25600xi32, #tpu.memory_space<vmem>> -> memref<128xi32, #tpu.memory_space<vmem>>
    %dma_wait3A_67 = arith.constant 0 : i32
    %dma_wait3A_68 = arith.constant 0 : i32
    %dma_wait3A_69 = tpu.memref_slice %arg2[%dma_wait3A_67, %dma_wait3A_68] : memref<1000x256xf32, #tpu.memory_space<hbm>> -> memref<1000x256xf32, #tpu.memory_space<hbm>>
    %dma_wait3A_70 = tpu.memref_slice %arg11[%dma_wait3A_64] : memref<2x!tpu.dma_semaphore, #tpu.memory_space<semaphore_mem>> -> memref<1x!tpu.dma_semaphore, #tpu.memory_space<semaphore_mem>>
    %dma_wait3A_71 = tpu.memref_squeeze %dma_wait3A_70 : memref<1x!tpu.dma_semaphore, #tpu.memory_space<semaphore_mem>> -> memref<!tpu.dma_semaphore, #tpu.memory_space<semaphore_mem>>
    tpu.wait_indirect_dma semaphore(%dma_wait3A_71 : memref<!tpu.dma_semaphore, #tpu.memory_space<semaphore_mem>>) src(%dma_wait3A_69 : memref<1000x256xf32, #tpu.memory_space<hbm>>) dst(%arg7 : memref<128x256xf32, #tpu.memory_space<vmem>>)
    %scan3A_72 = arith.constant 0 : i32
    %scan3A_73 = arith.constant 128 : i32
    %scan3A_74 = arith.addi %scan3A_72, %scan3A_73 : i32
    %scan3A_75 = arith.constant 1 : i32
    scf.for %scan3A_145 = %scan3A_72 to %scan3A_74 step %scan3A_75  : i32 {
      %mul3A_146 = arith.constant 1 : i32
      %mul3A_147 = arith.muli %scan3A_145, %mul3A_146 : i32
      %add3A_148 = arith.constant 0 : i32
      %add3A_149 = arith.addi %add3A_148, %mul3A_147 : i32
      %get3A = arith.index_cast %add3A_149 : i32 to index
      %get3A_150 = arith.constant 128 : index
      %get3A_151 = tpu.vector_load %arg7[%get3A, %get3A_150] {strides = array<i32>} : memref<128x256xf32, #tpu.memory_space<vmem>>, vector<1x16xf32>,
      %get3A_152 = vector.shape_cast %get3A_151 : vector<1x16xf32> to vector<1x16xf32>
      %swap3A = arith.index_cast %add3A_149 : i32 to index
      %swap3A_153 = arith.constant 0 : index
      %swap3A_154 = tpu.vector_load %arg9[%swap3A, %swap3A_153] {strides = array<i32>} : memref<128x64xf32, #tpu.memory_space<vmem>>, vector<1x16xf32>,
      %swap3A_155 = vector.shape_cast %swap3A_154 : vector<1x16xf32> to vector<1x16xf32>
      %swap3A_156 = vector.shape_cast %get3A_152 : vector<1x16xf32> to vector<1x16xf32>
      tpu.vector_store %arg9[%swap3A, %swap3A_153], %swap3A_156 {strides = array<i32>} : memref<128x64xf32, #tpu.memory_space<vmem>>, vector<1x16xf32>,
      %get3A_157 = arith.index_cast %add3A_149 : i32 to index
      %get3A_158 = arith.constant 144 : index
      %get3A_159 = tpu.vector_load %arg7[%get3A_157, %get3A_158] {strides = array<i32>} : memref<128x256xf32, #tpu.memory_space<vmem>>, vector<1x16xf32>,
      %get3A_160 = vector.shape_cast %get3A_159 : vector<1x16xf32> to vector<1x16xf32>
      %swap3A_161 = arith.index_cast %add3A_149 : i32 to index
      %swap3A_162 = arith.constant 16 : index
      %swap3A_163 = tpu.vector_load %arg9[%swap3A_161, %swap3A_162] {strides = array<i32>} : memref<128x64xf32, #tpu.memory_space<vmem>>, vector<1x16xf32>,
      %swap3A_164 = vector.shape_cast %swap3A_163 : vector<1x16xf32> to vector<1x16xf32>
      %swap3A_165 = vector.shape_cast %get3A_160 : vector<1x16xf32> to vector<1x16xf32>
      tpu.vector_store %arg9[%swap3A_161, %swap3A_162], %swap3A_165 {strides = array<i32>} : memref<128x64xf32, #tpu.memory_space<vmem>>, vector<1x16xf32>,
      %get3A_166 = arith.index_cast %add3A_149 : i32 to index
      %get3A_167 = arith.constant 160 : index
      %get3A_168 = tpu.vector_load %arg7[%get3A_166, %get3A_167] {strides = array<i32>} : memref<128x256xf32, #tpu.memory_space<vmem>>, vector<1x16xf32>,
      %get3A_169 = vector.shape_cast %get3A_168 : vector<1x16xf32> to vector<1x16xf32>
      %swap3A_170 = arith.index_cast %add3A_149 : i32 to index
      %swap3A_171 = arith.constant 32 : index
      %swap3A_172 = tpu.vector_load %arg9[%swap3A_170, %swap3A_171] {strides = array<i32>} : memref<128x64xf32, #tpu.memory_space<vmem>>, vector<1x16xf32>,
      %swap3A_173 = vector.shape_cast %swap3A_172 : vector<1x16xf32> to vector<1x16xf32>
      %swap3A_174 = vector.shape_cast %get3A_169 : vector<1x16xf32> to vector<1x16xf32>
      tpu.vector_store %arg9[%swap3A_170, %swap3A_171], %swap3A_174 {strides = array<i32>} : memref<128x64xf32, #tpu.memory_space<vmem>>, vector<1x16xf32>,
      %get3A_175 = arith.index_cast %add3A_149 : i32 to index
      %get3A_176 = arith.constant 176 : index
      %get3A_177 = tpu.vector_load %arg7[%get3A_175, %get3A_176] {strides = array<i32>} : memref<128x256xf32, #tpu.memory_space<vmem>>, vector<1x16xf32>,
      %get3A_178 = vector.shape_cast %get3A_177 : vector<1x16xf32> to vector<1x16xf32>
      %swap3A_179 = arith.index_cast %add3A_149 : i32 to index
      %swap3A_180 = arith.constant 48 : index
      %swap3A_181 = tpu.vector_load %arg9[%swap3A_179, %swap3A_180] {strides = array<i32>} : memref<128x64xf32, #tpu.memory_space<vmem>>, vector<1x16xf32>,
      %swap3A_182 = vector.shape_cast %swap3A_181 : vector<1x16xf32> to vector<1x16xf32>
      %swap3A_183 = vector.shape_cast %get3A_178 : vector<1x16xf32> to vector<1x16xf32>
      tpu.vector_store %arg9[%swap3A_179, %swap3A_180], %swap3A_183 {strides = array<i32>} : memref<128x64xf32, #tpu.memory_space<vmem>>, vector<1x16xf32>,
    }
    %scan3A_76 = arith.constant 128 : i32
    %add3A_77 = arith.constant 199 : i32
    %add3A_78 = arith.addi %mul3A_2, %add3A_77 : i32
    %mul3A_79 = arith.constant 128 : i32
    %mul3A_80 = arith.muli %add3A_78, %mul3A_79 : i32
    %dma_start3A_81 = arith.constant 1 : i32
    %dma_start3A_82 = arith.constant 0 : i32
    %dma_start3A_83 = arith.constant 0 : i32
    %dma_start3A_84 = tpu.memref_slice %arg7[%dma_start3A_82, %dma_start3A_83] : memref<128x256xf32, #tpu.memory_space<vmem>> -> memref<128x128xf32, #tpu.memory_space<vmem>>
    %dma_start3A_85 = arith.constant 0 : i32
    %dma_start3A_86 = tpu.memref_slice %arg4[%mul3A_80, %dma_start3A_85] : memref<819200x192xf32, #tpu.memory_space<hbm>> -> memref<128x128xf32, #tpu.memory_space<hbm>>
    %dma_start3A_87 = tpu.memref_slice %arg12[%dma_start3A_81] : memref<2x!tpu.dma_semaphore, #tpu.memory_space<semaphore_mem>> -> memref<1x!tpu.dma_semaphore, #tpu.memory_space<semaphore_mem>>
    %dma_start3A_88 = tpu.memref_squeeze %dma_start3A_87 : memref<1x!tpu.dma_semaphore, #tpu.memory_space<semaphore_mem>> -> memref<!tpu.dma_semaphore, #tpu.memory_space<semaphore_mem>>
    %dma_start3A_89 = arith.constant 0 : i32
    %dma_start3A_90 = tpu.memref_slice %arg4[%mul3A_80, %dma_start3A_89] : memref<819200x192xf32, #tpu.memory_space<hbm>> -> memref<128x128xf32, #tpu.memory_space<hbm>>
    %dma_start3A_91 = arith.constant 0 : i32
    %dma_start3A_92 = arith.constant 0 : i32
    %dma_start3A_93 = tpu.memref_slice %arg7[%dma_start3A_91, %dma_start3A_92] : memref<128x256xf32, #tpu.memory_space<vmem>> -> memref<128x128xf32, #tpu.memory_space<vmem>>
    tpu.enqueue_dma source(%dma_start3A_93 : memref<128x128xf32, #tpu.memory_space<vmem>>) target(%dma_start3A_90 : memref<128x128xf32, #tpu.memory_space<hbm>>) target_semaphore(%dma_start3A_88 : memref<!tpu.dma_semaphore, #tpu.memory_space<semaphore_mem>>)
    %dma_start3A_94 = arith.constant 1 : i32
    %dma_start3A_95 = arith.constant 128 : i32
    %dma_start3A_96 = tpu.memref_slice %arg4[%mul3A_80, %dma_start3A_95] : memref<819200x192xf32, #tpu.memory_space<hbm>> -> memref<128x64xf32, #tpu.memory_space<hbm>>
    %dma_start3A_97 = tpu.memref_slice %arg12[%dma_start3A_94] : memref<2x!tpu.dma_semaphore, #tpu.memory_space<semaphore_mem>> -> memref<1x!tpu.dma_semaphore, #tpu.memory_space<semaphore_mem>>
    %dma_start3A_98 = tpu.memref_squeeze %dma_start3A_97 : memref<1x!tpu.dma_semaphore, #tpu.memory_space<semaphore_mem>> -> memref<!tpu.dma_semaphore, #tpu.memory_space<semaphore_mem>>
    %dma_start3A_99 = arith.constant 128 : i32
    %dma_start3A_100 = tpu.memref_slice %arg4[%mul3A_80, %dma_start3A_99] : memref<819200x192xf32, #tpu.memory_space<hbm>> -> memref<128x64xf32, #tpu.memory_space<hbm>>
    tpu.enqueue_dma source(%arg9 : memref<128x64xf32, #tpu.memory_space<vmem>>) target(%dma_start3A_100 : memref<128x64xf32, #tpu.memory_space<hbm>>) target_semaphore(%dma_start3A_98 : memref<!tpu.dma_semaphore, #tpu.memory_space<semaphore_mem>>)
    %mul3A_101 = arith.constant 128 : i32
    %mul3A_102 = arith.muli %mul3A_2, %mul3A_101 : i32
    %dma_wait3A_103 = arith.constant 0 : i32
    %dma_wait3A_104 = arith.constant 0 : i32
    %dma_wait3A_105 = arith.constant 0 : i32
    %dma_wait3A_106 = tpu.memref_slice %arg6[%dma_wait3A_104, %dma_wait3A_105] : memref<128x256xf32, #tpu.memory_space<vmem>> -> memref<128x128xf32, #tpu.memory_space<vmem>>
    %dma_wait3A_107 = arith.constant 0 : i32
    %dma_wait3A_108 = tpu.memref_slice %arg4[%mul3A_102, %dma_wait3A_107] : memref<819200x192xf32, #tpu.memory_space<hbm>> -> memref<128x128xf32, #tpu.memory_space<hbm>>
    %dma_wait3A_109 = tpu.memref_slice %arg12[%dma_wait3A_103] : memref<2x!tpu.dma_semaphore, #tpu.memory_space<semaphore_mem>> -> memref<1x!tpu.dma_semaphore, #tpu.memory_space<semaphore_mem>>
    %dma_wait3A_110 = tpu.memref_squeeze %dma_wait3A_109 : memref<1x!tpu.dma_semaphore, #tpu.memory_space<semaphore_mem>> -> memref<!tpu.dma_semaphore, #tpu.memory_space<semaphore_mem>>
    %dma_wait3A_111 = arith.constant 0 : i32
    %dma_wait3A_112 = tpu.memref_slice %arg4[%mul3A_102, %dma_wait3A_111] : memref<819200x192xf32, #tpu.memory_space<hbm>> -> memref<128x128xf32, #tpu.memory_space<hbm>>
    %dma_wait3A_113 = arith.constant 0 : i32
    %dma_wait3A_114 = arith.constant 0 : i32
    %dma_wait3A_115 = tpu.memref_slice %arg6[%dma_wait3A_113, %dma_wait3A_114] : memref<128x256xf32, #tpu.memory_space<vmem>> -> memref<128x128xf32, #tpu.memory_space<vmem>>
    tpu.wait_dma2 semaphore(%dma_wait3A_110 : memref<!tpu.dma_semaphore, #tpu.memory_space<semaphore_mem>>) src(%dma_wait3A_115 : memref<128x128xf32, #tpu.memory_space<vmem>>) dst(%dma_wait3A_112 : memref<128x128xf32, #tpu.memory_space<hbm>>)
    %dma_wait3A_116 = arith.constant 0 : i32
    %dma_wait3A_117 = arith.constant 128 : i32
    %dma_wait3A_118 = tpu.memref_slice %arg4[%mul3A_102, %dma_wait3A_117] : memref<819200x192xf32, #tpu.memory_space<hbm>> -> memref<128x64xf32, #tpu.memory_space<hbm>>
    %dma_wait3A_119 = tpu.memref_slice %arg12[%dma_wait3A_116] : memref<2x!tpu.dma_semaphore, #tpu.memory_space<semaphore_mem>> -> memref<1x!tpu.dma_semaphore, #tpu.memory_space<semaphore_mem>>
    %dma_wait3A_120 = tpu.memref_squeeze %dma_wait3A_119 : memref<1x!tpu.dma_semaphore, #tpu.memory_space<semaphore_mem>> -> memref<!tpu.dma_semaphore, #tpu.memory_space<semaphore_mem>>
    %dma_wait3A_121 = arith.constant 128 : i32
    %dma_wait3A_122 = tpu.memref_slice %arg4[%mul3A_102, %dma_wait3A_121] : memref<819200x192xf32, #tpu.memory_space<hbm>> -> memref<128x64xf32, #tpu.memory_space<hbm>>
    tpu.wait_dma2 semaphore(%dma_wait3A_120 : memref<!tpu.dma_semaphore, #tpu.memory_space<semaphore_mem>>) src(%arg8 : memref<128x64xf32, #tpu.memory_space<vmem>>) dst(%dma_wait3A_122 : memref<128x64xf32, #tpu.memory_space<hbm>>)
    %mul3A_123 = arith.constant 128 : i32
    %mul3A_124 = arith.muli %mul3A_2, %mul3A_123 : i32
    %dma_wait3A_125 = arith.constant 1 : i32
    %dma_wait3A_126 = arith.constant 0 : i32
    %dma_wait3A_127 = arith.constant 0 : i32
    %dma_wait3A_128 = tpu.memref_slice %arg7[%dma_wait3A_126, %dma_wait3A_127] : memref<128x256xf32, #tpu.memory_space<vmem>> -> memref<128x128xf32, #tpu.memory_space<vmem>>
    %dma_wait3A_129 = arith.constant 0 : i32
    %dma_wait3A_130 = tpu.memref_slice %arg4[%mul3A_124, %dma_wait3A_129] : memref<819200x192xf32, #tpu.memory_space<hbm>> -> memref<128x128xf32, #tpu.memory_space<hbm>>
    %dma_wait3A_131 = tpu.memref_slice %arg12[%dma_wait3A_125] : memref<2x!tpu.dma_semaphore, #tpu.memory_space<semaphore_mem>> -> memref<1x!tpu.dma_semaphore, #tpu.memory_space<semaphore_mem>>
    %dma_wait3A_132 = tpu.memref_squeeze %dma_wait3A_131 : memref<1x!tpu.dma_semaphore, #tpu.memory_space<semaphore_mem>> -> memref<!tpu.dma_semaphore, #tpu.memory_space<semaphore_mem>>
    %dma_wait3A_133 = arith.constant 0 : i32
    %dma_wait3A_134 = tpu.memref_slice %arg4[%mul3A_124, %dma_wait3A_133] : memref<819200x192xf32, #tpu.memory_space<hbm>> -> memref<128x128xf32, #tpu.memory_space<hbm>>
    %dma_wait3A_135 = arith.constant 0 : i32
    %dma_wait3A_136 = arith.constant 0 : i32
    %dma_wait3A_137 = tpu.memref_slice %arg7[%dma_wait3A_135, %dma_wait3A_136] : memref<128x256xf32, #tpu.memory_space<vmem>> -> memref<128x128xf32, #tpu.memory_space<vmem>>
    tpu.wait_dma2 semaphore(%dma_wait3A_132 : memref<!tpu.dma_semaphore, #tpu.memory_space<semaphore_mem>>) src(%dma_wait3A_137 : memref<128x128xf32, #tpu.memory_space<vmem>>) dst(%dma_wait3A_134 : memref<128x128xf32, #tpu.memory_space<hbm>>)
    %dma_wait3A_138 = arith.constant 1 : i32
    %dma_wait3A_139 = arith.constant 128 : i32
    %dma_wait3A_140 = tpu.memref_slice %arg4[%mul3A_124, %dma_wait3A_139] : memref<819200x192xf32, #tpu.memory_space<hbm>> -> memref<128x64xf32, #tpu.memory_space<hbm>>
    %dma_wait3A_141 = tpu.memref_slice %arg12[%dma_wait3A_138] : memref<2x!tpu.dma_semaphore, #tpu.memory_space<semaphore_mem>> -> memref<1x!tpu.dma_semaphore, #tpu.memory_space<semaphore_mem>>
    %dma_wait3A_142 = tpu.memref_squeeze %dma_wait3A_141 : memref<1x!tpu.dma_semaphore, #tpu.memory_space<semaphore_mem>> -> memref<!tpu.dma_semaphore, #tpu.memory_space<semaphore_mem>>
    %dma_wait3A_143 = arith.constant 128 : i32
    %dma_wait3A_144 = tpu.memref_slice %arg4[%mul3A_124, %dma_wait3A_143] : memref<819200x192xf32, #tpu.memory_space<hbm>> -> memref<128x64xf32, #tpu.memory_space<hbm>>
    tpu.wait_dma2 semaphore(%dma_wait3A_142 : memref<!tpu.dma_semaphore, #tpu.memory_space<semaphore_mem>>) src(%arg9 : memref<128x64xf32, #tpu.memory_space<vmem>>) dst(%dma_wait3A_144 : memref<128x64xf32, #tpu.memory_space<hbm>>)
    return
  }
}

</mosaic_0001>

<sc_bundles>
// kernel: kernel.3.cloned.1.call-start
scs
__scs_entry_jumppad:
0x0: {  	(pc) =	sbr.rel $0x88, $3  }
0x1: {  	(tag) =	ssettag $0x0;
	lr =	simm.s32 $0x1  }
0x2: {  	[smem:$0x3F9E] =	sst lr;
	_ =	strace $0xD0000000  }
0x3: {  	_ = 	snop  }
0x4: {  	_ = 	snop  }
0x5: {  	_ = 	snop  }
0x6: {  	_ = 	snop  }
0x7: {  	_ = 	snop  }
__scs_overlays_trampoline_lowered:
0x8: {  	[smem:$0x3FAD] =	sst s0  }
0x9: {  	[smem:$0x3FAE] =	sst s1  }
0xa: {  	[smem:$0x3FAF] =	sst s2  }
0xb: {  	[smem:$0x3FB0] =	sst s3  }
0xc: {  	[smem:$0x3FB1] =	sst s4  }
0xd: {  	[smem:$0x3FB2] =	sst s5  }
0xe: {  	[smem:$0x3FB3] =	sst s6  }
0xf: {  	[smem:$0x3FB4] =	sst s7  }
0x10: {  	[smem:$0x3FB5] =	sst s8  }
0x11: {  	[smem:$0x3FB6] =	sst s9;
	s0 =	simm.s32 @!p0 $0x0  }
0x12: {  	s1 =	sld [smem:$0x3F9C];
	s0 =	simm.s32 @p0 $0x1  }
0x13: {  	[smem:$0x3FB7] =	sst s0;
	s0 =	simm.s32 @!p1 $0x0  }
0x14: {  	s2 =	sld [smem:$0x3F9B];
	s0 =	simm.s32 @p1 $0x1  }
0x15: {  	[smem:$0x3FB8] =	sst s0;
	s0 =	simm.s32 @!p2 $0x0  }
0x16: {  	s3 =	sld [smem:$0x3FDB];
	s0 =	simm.s32 @p2 $0x1  }
0x17: {  	s4 =	simm.s32 $0x1BF5;
	[smem:$0x3FBA] =	sst s0  }
0x18: {  	s0 =	sld [smem:$0x3F9D];
	_ =	swait.ge [sflag:s4], $0x0  }
0x19: {  	s7 =	sld [smem:$0x3F9E]  }
0x1a: {  	s8 =	sadd.s32 $0xFFFFE003, lr  }
0x1b: {  	s9 =	sadd.s32 $0xFFFFFEF7, lr;
	s5 =	simm.s32 $0xFFFFFFFF;
	p2 =	slt.u32 s8, $0xFFFFF086  }
0x1c: {  	p1 =	slt.u32 s9, $0xF7A;
	s5 =	simm.s32 @!p2 $0x0  }
0x1d: {  	s5 =	simm.s32 @p1 $0x1;
	p0 =	seq.s32 s7, s2  }
0x1e: {  	s7 =	smul.u32 @!p0 $0xF7A, s2;
	p2 =	seq.s32 @!p0 s5, $0x0  }
0x1f: {  	s9 =	smul.u32 $0xF7A, s1;
	s8 =	simm.s32 @!p0 $0x1BF5;
	p2 =	por !p2, p0  }
0x20: {  	[sflag:s8] =	ssyncset.s32 @!p0 $0xFFFFF086;
	s6 =	sadd.s32 @!p0 s3, s7;
	s7 =	simm.s32 @!p0 $0x108  }
0x21: {  	s3 =	sadd.s32 s3, s9;
	s6 =	sadd.s32 @!p0 $0x88, s6;
	s7 =	simm.s32 @p2 $0x1082  }
0x22: {  	[simem:s7], [sflag:s8] =	dma.local @!p0 [hbm:s6], $0xF7A  }
0x23: {  	s9 =	sor.u32 $0xD0000000, s2;
	s6 =	simm.s32 $0x108;
	_ =	swait.ge @!p0 [sflag:s8], $0x0  }
0x24: {  	s3 =	sadd.s32 $0x88, s3;
	s6 =	simm.s32 @!p1 $0x1082;
	[sflag:s4] =	ssyncset.s32 $0xFFFFF086  }
0x25: {  	[simem:s6], [sflag:s4] =	dma.local [hbm:s3], $0xF7A  }
0x26: {  	[smem:$0x3F9E] =	sst s1;
	(tag) =	ssettag s2;
	_ =	strace s9  }
0x27: {  	s1 =	sld [smem:$0x3FAE]  }
0x28: {  	s2 =	sld [smem:$0x3FAF]  }
0x29: {  	s4 =	sld [smem:$0x3FB1]  }
0x2a: {  	p0 =	seq.s32 s5, $0x0;
	s5 =	sld [smem:$0x3FB2]  }
0x2b: {  	s6 =	sld [smem:$0x3FB3]  }
0x2c: {  	s7 =	sld [smem:$0x3FB4]  }
0x2d: {  	s3 =	simm.s32 $0x108;
	s8 =	sld [smem:$0x3FB5]  }
0x2e: {  	s3 =	simm.s32 @!p0 $0x1082;
	s9 =	sld [smem:$0x3FB6]  }
0x2f: {  	lr =	sadd.s32 s0, s3;
	s0 =	sld [smem:$0x3FAD]  }
0x30: {  	s3 =	sld [smem:$0x3FB0]  }
0x31: {  	[smem:$0x3FB9] =	sst s10  }
0x32: {  	s10 =	sld [smem:$0x3FB7];
	_ =	sdelay $0x3  }
0x33: {  	p0 =	seq.s32 s10, $0x1;
	s10 =	sld [smem:$0x3FB9];
	_ =	sdelay $0x3  }
0x34: {  	[smem:$0x3FB9] =	sst s10  }
0x35: {  	s10 =	sld [smem:$0x3FB8];
	_ =	sdelay $0x3  }
0x36: {  	p1 =	seq.s32 s10, $0x1;
	s10 =	sld [smem:$0x3FB9];
	_ =	sdelay $0x3  }
0x37: {  	[smem:$0x3FB9] =	sst s10  }
0x38: {  	s10 =	sld [smem:$0x3FBA]  }
0x39: {  	_ = 	snop;
	(pc) =	sbr.ind lr, $3  }
0x3a: {  	_ = 	snop  }
0x3b: {  	_ = 	snop  }
0x3c: {  	p2 =	seq.s32 s10, $0x1;
	s10 =	sld [smem:$0x3FB9]  }
0x3d: {  	_ =	shalt  }
0x3e: {  	_ =	shalt  }
0x3f: {  	_ =	shalt  }
0x40: {  	_ =	shalt  }
0x41: {  	_ =	shalt  }
0x42: {  	_ =	shalt  }
0x43: {  	_ =	shalt  }
0x44: {  	_ =	shalt  }
0x45: {  	_ =	shalt  }
0x46: {  	_ =	shalt  }
0x47: {  	_ =	shalt  }
0x48: {  	_ =	shalt  }
0x49: {  	_ =	shalt  }
0x4a: {  	_ =	shalt  }
0x4b: {  	_ =	shalt  }
0x4c: {  	_ =	shalt  }
0x4d: {  	_ =	shalt  }
0x4e: {  	_ =	shalt  }
0x4f: {  	_ =	shalt  }
0x50: {  	_ =	shalt  }
0x51: {  	_ =	shalt  }
0x52: {  	_ =	shalt  }
0x53: {  	_ =	shalt  }
0x54: {  	_ =	shalt  }
0x55: {  	_ =	shalt  }
0x56: {  	_ =	shalt  }
0x57: {  	_ =	shalt  }
0x58: {  	_ =	shalt  }
0x59: {  	_ =	shalt  }
0x5a: {  	_ =	shalt  }
0x5b: {  	_ =	shalt  }
0x5c: {  	_ =	shalt  }
0x5d: {  	_ =	shalt  }
0x5e: {  	_ =	shalt  }
0x5f: {  	_ =	shalt  }
0x60: {  	_ =	shalt  }
0x61: {  	_ =	shalt  }
0x62: {  	_ =	shalt  }
0x63: {  	_ =	shalt  }
0x64: {  	_ =	shalt  }
0x65: {  	_ =	shalt  }
0x66: {  	_ =	shalt  }
0x67: {  	_ =	shalt  }
0x68: {  	_ =	shalt  }
0x69: {  	_ =	shalt  }
0x6a: {  	_ =	shalt  }
0x6b: {  	_ =	shalt  }
0x6c: {  	_ =	shalt  }
0x6d: {  	_ =	shalt  }
0x6e: {  	_ =	shalt  }
0x6f: {  	_ =	shalt  }
0x70: {  	_ =	shalt  }
0x71: {  	_ =	shalt  }
0x72: {  	_ =	shalt  }
0x73: {  	_ =	shalt  }
0x74: {  	_ =	shalt  }
0x75: {  	_ =	shalt  }
0x76: {  	_ =	shalt  }
0x77: {  	_ =	shalt  }
0x78: {  	_ =	shalt  }
0x79: {  	_ =	shalt  }
0x7a: {  	_ =	shalt  }
0x7b: {  	_ =	shalt  }
0x7c: {  	_ =	shalt  }
0x7d: {  	_ =	shalt  }
0x7e: {  	_ =	shalt  }
0x7f: {  	_ =	shalt  }
0x80: {  	_ =	shalt  }
0x81: {  	_ =	shalt  }
0x82: {  	_ =	shalt  }
0x83: {  	_ =	shalt  }
0x84: {  	_ =	shalt  }
0x85: {  	_ =	shalt  }
0x86: {  	_ =	shalt  }
0x87: {  	_ =	shalt  }
.Lfunc_end0:
.L_simem_size_0:
called_computation.1_lowered:
.L_overlay_start_0:
0x88: {  	s2 =	sld [smem:$0x3FD9]  }
0x89: {  	s3 =	sld [smem:$0x3FFE];
	_ =	sdelay $0x1  }
0x8a: {  	s1 =	srdreg.scid  }
0x8b: {  	s0 =	sand.u32 $0x1, s1  }
0x8c: {  	s17 =	sshll.u32 s0, $0xA;
	s2 =	sadd.s32 s3, s2  }
0x8d: {  	s2 =	sadd.s32 s2, s17  }
0x8e: {  	[smem:$0x3FC5] =	sst s2  }
0x8f: {  	_ = 	snop  }
0x90: {  	s2 =	sld [smem:$0x3FD0];
	(tm) =	ssettm $0x1  }
0x91: {  	s18 =	sld [smem:$0x3FFB];
	_ =	sdelay $0x3  }
0x92: {  	_ =	strace s18  }
0x93: {  	s3 =	sld [smem:$0x3FFC];
	_ =	sdelay $0x3  }
0x94: {  	_ =	strace s3  }
0x95: {  	s3 =	sld [smem:$0x3FFD];
	_ =	sdelay $0x3  }
0x96: {  	_ =	strace s3  }
0x97: {  	_ =	strace $0x8FFFFFFF  }
0x98: {  	s19 =	sld [smem:$0x3FDB];
	_ =	sdelay $0x1  }
0x99: {  	s4 =	simm.s32 $_scs_section_size  }
0x9a: {  	s5 =	simm.s32 $_size__tile_overlayer_lowered;
	s6 =	simm.s32 $_tile_overlayer_lowered  }
0x9b: {  	s22 =	simm.s32 $0x1BFF;
	s21 =	sshll.u32 s6, $0x1;
	s3 =	sadd.s32 s4, s19  }
0x9c: {  	s7 =	simm.s32 $0x0;
	s20 =	sshll.u32 s5, $0x1;
	s5 =	sadd.s32 s21, s3  }
0x9d: {  	[timem:s7], [sflag:s22] =	dma.local [hbm:s5], s20  }
0x9e: {  	_ =	swait.ge [sflag:s22], s20  }
0x9f: {  	s4 =	ssub.s32 $0x0, s20;
	[sflag:s22] =	ssyncset.done $0x0  }
0xa0: {  	[sflag:s22] =	ssyncadd.s32 s4;
	_ =	sdelay $0x1  }
0xa1: {  	s23 =	simm.s32 $0x1B8B  }
0xa2: {  	_ =	swait.ge [sflag:s23], $0x1  }
0xa3: {  	[sflag:s23] =	ssyncset.done $0x0  }
0xa4: {  	s25 =	simm.s32 $0x1B8E;
	s24 =	sld [smem:$0x3FFE];
	[sflag:s23] =	ssyncadd.s32 $0xFFFFFFFF  }
0xa5: {  	s26 =	simm.s32 $execute0_lowered;
	[smem:$0x3FD2] =	sst s25  }
0xa6: {  	s5 =	sshll.u32 s26, $0x1;
	_ =	strace $0x80000046;
	[dreg:$0x1] =	wrdreg $0xFFFFFFFF  }
0xa7: {  	s28 =	simm.s32 $_size_execute0_lowered;
	s3 =	sadd.s32 s3, s5;
	[dreg:$0x0] =	wrdreg $0x0  }
0xa8: {  	s5 =	sshll.u32 s28, $0x1;
	[dreg:$0x2] =	wrdreg s3  }
0xa9: {  	[dreg:$0x3] =	wrdreg s5  }
0xaa: {  	[dreg:$0x4] =	wrdreg $0xC0  }
0xab: {  	_ =	task [dreg:s7], $0x5FFFF  }
0xac: {  	[dreg:$0x1] =	wrdreg $0xFFFFFFFF  }
0xad: {  	[dreg:$0x0] =	wrdreg $0x60  }
0xae: {  	[dreg:$0x2] =	wrdreg s24  }
0xaf: {  	[dreg:$0x3] =	wrdreg s2  }
0xb0: {  	[dreg:$0x4] =	wrdreg $0x9  }
0xb1: {  	_ =	task.clear_ibuf [dreg:s7], $0x5FFFF;
	_ =	strace $0x90000046  }
0xb2: {  	s29 =	simm.s32 $0x9;
	_ =	strace $0x80000048  }
0xb3: {  	_ =	swait.ge [sflag:s29], $0x1  }
0xb4: {  	[sflag:s29] =	ssyncadd.s32 $0xFFFFFFFF  }
0xb5: {  	_ =	strace $0x90000048  }
0xb6: {  	_ =	sfence  }
0xb7: {  	s30 =	sld [smem:$0x0];
	_ =	sdelay $0x2  }
0xb8: {  	s31 =	sshll.u32 s1, $0xD;
	s1 =	sshrl.u32 s1, $0x2  }
0xb9: {  	s3 =	sand.u32 $0x4000, s31;
	s1 =	sadd.s32 s1, s30  }
0xba: {  	s0 =	sor.u32 s3, s0;
	s1 =	sshll.u32 s1, $0x11  }
0xbb: {  	s0 =	sor.u32 s1, s0  }
0xbc: {  	s0 =	sadd.s32 $0x8F2B, s0  }
0xbd: {  	[sflag:s0] =	ssyncadd.remote.s32 $0x1  }
0xbe: {  	_ =	sfence.sel $0xFFFF  }
0xbf: {  	[dreg:$0x0] =	wrdreg $0xFFFFFFFF;
	(pc) =	sbr.abs _section_cstart, $3  }
0xc0: {  	[dreg:$0x1] =	wrdreg $0xFFFFFFFF  }
0xc1: {  	_ =	task.clear_ibuf [dreg:s7], $0x2FFFF;
	_ =	strace $0x9FFFFFFF  }
0xc2: {  	(tm) =	ssettm $0x7FFFFFFF  }
0xc3: {  	_ =	shalt  }
tec
execute0_lowered:
.L_overlay_start_1:
0x0: {  	(tag) =	ssettag $0x1  }
0x1: {  	s0 =	rddreg [dreg:$0x0]  }
0x2: {  	s1 =	rddreg [dreg:$0x1]  }
0x3: {  	s3 =	srdreg.scid;
	s2 =	simm.s32 $0x0;
	s5 =	stileid.u32  }
0x4: {  	s30 =	simm.s32 $0xE400;
	s31 =	simm.s32 $0xEC00;
	s10 =	simm.s32 $0xFC00  }
0x5: {  	s12 =	simm.s32 $0x10400;
	s13 =	simm.s32 $0x10C00;
	s14 =	simm.s32 $0x11400  }
0x6: {  	s11 =	simm.s32 $0x12400;
	s15 =	simm.s32 $0x13C00;
	s16 =	simm.s32 $0x14400  }
0x7: {  	s17 =	simm.s32 $0x14C00;
	s18 =	simm.s32 $0x15400;
	s4 =	sand.u32 $0x1, s3  }
0x8: {  	s19 =	simm.s32 $0x15C00;
	[smem:$0x7FF] =	sst s2;
	s3 =	sshll.u32 s4, $0x4  }
0x9: {  	s20 =	simm.s32 $0x2;
	_ =	strace $0x80000047;
	s5 =	sor.u32 s5, s3  }
0xa: {  	s6 =	ssub.s32 $0x2, s4;
	s4 =	sadd.s32 $0x8800, s0;
	s7 =	smul.u32 $0x640000, s5  }
0xb: {  	s3 =	sadd.s32 $0xA00, s0;
	s8 =	sshrl.u32 s6, $0x1;
	s9 =	smul.u32 $0xC80, s5  }
0xc: {  	s6 =	ssub.s32 s6, s8;
	s21 =	smul.u32 $0xC8, s5;
	s5 =	simm.s32 $0x12C00  }
0xd: {  	s8 =	simm.s32 $0x13400;
	s29 =	smax.u32 s6, $0x1;
	s6 =	simm.s32 $0xF400  }
0xe: {  	s22 =	sshrl.u32 s7, $0x3;
	s1 =	sadd.s32 s1, s9;
	[dreg:$0x3] =	wrdreg s21  }
0xf: {  	s7 =	sadd.s32 $0x8880, s0;
	s24 =	sor.u32 $0x1, s21;
	[dreg:$0xa] =	wrdreg s29  }
0x10: {  	s9 =	simm.s32 $0x11C00;
	[dreg:$0x4] =	wrdreg s1;
	s23 =	sadd.s32 s4, s22  }
0x11: {  	s21 =	simm.s32 $0x400;
	[dreg:$0x5] =	wrdreg s24;
	s25 =	sadd.s32 $0xC6000, s23  }
0x12: {  	s22 =	simm.s32 $0x800;
	s26 =	sadd.s32 $0xC6080, s23;
	[dreg:$0x6] =	wrdreg s25  }
0x13: {  	v2 =	vlaneseq.u32;
	s24 =	simm.s32 $0x4;
	s28 =	sadd.s32 $0xC7000, s23;
	[dreg:$0x7] =	wrdreg s26  }
0x14: {  	vm0 =	vmmov $0xffff;
	v1 =	vshrl.u32 v2, $0x3;
	s1 =	simm.s32 $0x0;
	s0 =	sadd.s32 $0xC7080, s23;
	[dreg:$0x8] =	wrdreg s28  }
0x15: {  	v0 =	vand.u32 $0x7, v2;
	v2 =	vor.u32 $0x8, v2;
	v1 =	vmul.u32 $0x8, v1;
	s23 =	simm.s32 $0x3;
	[dreg:$0x9] =	wrdreg s0;
	s25 =	simm.s32 $0x5  }
.LBB2_1:
0x16: {  	[dreg:$0xb] =	wrdreg s1  }
0x17: {  	s0 =	rddreg [dreg:$0x4];
	s29 =	simm.s32 $0x1  }
0x18: {  	[tilespmem:s2], [sflag:$0x1] =	stream.linear.gather [hbm4b:s0+s2], $0x6400, $0x38;
	[tilespmem:$0x1E400] =	vst v63  }
0x19: {  	_ =	swait.ge [sflag:s29], $0x6400  }
0x1a: {  	[sflag:s29] =	ssyncset.done $0x0  }
0x1b: {  	[sflag:s29] =	ssyncadd.s32 $0xFFFF9C00  }
0x1c: {  	v3 =	vld [tilespmem:$0x0];
	_ =	sdelay $0x4  }
0x1d: {  	v4 =	vshll.u32 v3, $0x1  }
0x1e: {  	v3 =	vand.u32 $0x7, v3;
	v4 =	vand.u32 $0xFFFFFFF0, v4  }
0x1f: {  	v3 =	vor.u32 v3, v4  }
0x20: {  	v4 =	vperm.xlane v3, v0;
	_ =	sdelay $0x1  }
0x21: {  	v3 =	vperm.xlane v3, v2;
	v4 =	vadd.s32 v1, v4;
	_ =	sdelay $0x1  }
0x22: {  	v3 =	vadd.s32 v1, v3;
	_ =	sdelay $0x1  }
0x23: {  	s1 =	simm.s32 $0x6400  }
0x24: {  	[tilespmem:s1], [sflag:$0x2] =	stream.indirect_vreg.gather [hbm4b:s3+s2], $0x80, v4, vm0, $0xb8;
	[tilespmem:$0x1E400] =	vst v63  }
0x25: {  	s26 =	simm.s32 $0x6C00  }
0x26: {  	[tilespmem:s26], [sflag:$0x2] =	stream.indirect_vreg.gather [hbm4b:s3+s2], $0x80, v3, vm0, $0xb8;
	[tilespmem:$0x1E400] =	vst v63  }
0x27: {  	v3 =	vld [tilespmem:$0x10];
	_ =	sdelay $0x4  }
0x28: {  	v49 =	vshll.u32 v3, $0x1  }
0x29: {  	v3 =	vand.u32 $0x7, v3;
	v4 =	vand.u32 $0xFFFFFFF0, v49  }
0x2a: {  	v3 =	vor.u32 v3, v4  }
0x2b: {  	v4 =	vperm.xlane v3, v0;
	_ =	sdelay $0x1  }
0x2c: {  	v3 =	vperm.xlane v3, v2;
	v4 =	vadd.s32 v1, v4;
	_ =	sdelay $0x1  }
0x2d: {  	v3 =	vadd.s32 v1, v3;
	_ =	sdelay $0x1  }
0x2e: {  	s28 =	simm.s32 $0x7400  }
0x2f: {  	[tilespmem:s28], [sflag:$0x2] =	stream.indirect_vreg.gather [hbm4b:s3+s2], $0x80, v4, vm0, $0xb8;
	[tilespmem:$0x1E400] =	vst v63  }
0x30: {  	s29 =	simm.s32 $0x7C00  }
0x31: {  	[tilespmem:s29], [sflag:$0x2] =	stream.indirect_vreg.gather [hbm4b:s3+s2], $0x80, v3, vm0, $0xb8;
	[tilespmem:$0x1E400] =	vst v63  }
0x32: {  	v3 =	vld [tilespmem:$0x20];
	_ =	sdelay $0x4  }
0x33: {  	v50 =	vshll.u32 v3, $0x1  }
0x34: {  	v3 =	vand.u32 $0x7, v3;
	v4 =	vand.u32 $0xFFFFFFF0, v50  }
0x35: {  	v3 =	vor.u32 v3, v4  }
0x36: {  	v4 =	vperm.xlane v3, v0;
	_ =	sdelay $0x1  }
0x37: {  	v3 =	vperm.xlane v3, v2;
	v4 =	vadd.s32 v1, v4;
	_ =	sdelay $0x1  }
0x38: {  	v3 =	vadd.s32 v1, v3;
	_ =	sdelay $0x1  }
0x39: {  	s1 =	simm.s32 $0x8400  }
0x3a: {  	[tilespmem:s1], [sflag:$0x2] =	stream.indirect_vreg.gather [hbm4b:s3+s2], $0x80, v4, vm0, $0xb8;
	[tilespmem:$0x1E400] =	vst v63  }
0x3b: {  	s26 =	simm.s32 $0x8C00  }
0x3c: {  	[tilespmem:s26], [sflag:$0x2] =	stream.indirect_vreg.gather [hbm4b:s3+s2], $0x80, v3, vm0, $0xb8;
	[tilespmem:$0x1E400] =	vst v63  }
0x3d: {  	v3 =	vld [tilespmem:$0x30];
	_ =	sdelay $0x4  }
0x3e: {  	v51 =	vshll.u32 v3, $0x1  }
0x3f: {  	v3 =	vand.u32 $0x7, v3;
	v4 =	vand.u32 $0xFFFFFFF0, v51  }
0x40: {  	v3 =	vor.u32 v3, v4  }
0x41: {  	v4 =	vperm.xlane v3, v0;
	_ =	sdelay $0x1  }
0x42: {  	v3 =	vperm.xlane v3, v2;
	v4 =	vadd.s32 v1, v4;
	_ =	sdelay $0x1  }
0x43: {  	v3 =	vadd.s32 v1, v3;
	_ =	sdelay $0x1  }
0x44: {  	s28 =	simm.s32 $0x9400  }
0x45: {  	[tilespmem:s28], [sflag:$0x2] =	stream.indirect_vreg.gather [hbm4b:s3+s2], $0x80, v4, vm0, $0xb8;
	[tilespmem:$0x1E400] =	vst v63  }
0x46: {  	s29 =	simm.s32 $0x9C00  }
0x47: {  	[tilespmem:s29], [sflag:$0x2] =	stream.indirect_vreg.gather [hbm4b:s3+s2], $0x80, v3, vm0, $0xb8;
	[tilespmem:$0x1E400] =	vst v63  }
0x48: {  	v3 =	vld [tilespmem:$0x40];
	_ =	sdelay $0x4  }
0x49: {  	v52 =	vshll.u32 v3, $0x1  }
0x4a: {  	v3 =	vand.u32 $0x7, v3;
	v4 =	vand.u32 $0xFFFFFFF0, v52  }
0x4b: {  	v3 =	vor.u32 v3, v4  }
0x4c: {  	v4 =	vperm.xlane v3, v0;
	_ =	sdelay $0x1  }
0x4d: {  	v3 =	vperm.xlane v3, v2;
	v4 =	vadd.s32 v1, v4;
	_ =	sdelay $0x1  }
0x4e: {  	v3 =	vadd.s32 v1, v3;
	_ =	sdelay $0x1  }
0x4f: {  	s1 =	simm.s32 $0xA400  }
0x50: {  	[tilespmem:s1], [sflag:$0x2] =	stream.indirect_vreg.gather [hbm4b:s3+s2], $0x80, v4, vm0, $0xb8;
	[tilespmem:$0x1E400] =	vst v63  }
0x51: {  	s26 =	simm.s32 $0xAC00  }
0x52: {  	[tilespmem:s26], [sflag:$0x2] =	stream.indirect_vreg.gather [hbm4b:s3+s2], $0x80, v3, vm0, $0xb8;
	[tilespmem:$0x1E400] =	vst v63  }
0x53: {  	v3 =	vld [tilespmem:$0x50];
	_ =	sdelay $0x4  }
0x54: {  	v53 =	vshll.u32 v3, $0x1  }
0x55: {  	v3 =	vand.u32 $0x7, v3;
	v4 =	vand.u32 $0xFFFFFFF0, v53  }
0x56: {  	v3 =	vor.u32 v3, v4  }
0x57: {  	v4 =	vperm.xlane v3, v0;
	_ =	sdelay $0x1  }
0x58: {  	v3 =	vperm.xlane v3, v2;
	v4 =	vadd.s32 v1, v4;
	_ =	sdelay $0x1  }
0x59: {  	v3 =	vadd.s32 v1, v3;
	_ =	sdelay $0x1  }
0x5a: {  	s28 =	simm.s32 $0xB400  }
0x5b: {  	[tilespmem:s28], [sflag:$0x2] =	stream.indirect_vreg.gather [hbm4b:s3+s2], $0x80, v4, vm0, $0xb8;
	[tilespmem:$0x1E400] =	vst v63  }
0x5c: {  	s29 =	simm.s32 $0xBC00  }
0x5d: {  	[tilespmem:s29], [sflag:$0x2] =	stream.indirect_vreg.gather [hbm4b:s3+s2], $0x80, v3, vm0, $0xb8;
	[tilespmem:$0x1E400] =	vst v63  }
0x5e: {  	v3 =	vld [tilespmem:$0x60];
	_ =	sdelay $0x4  }
0x5f: {  	v54 =	vshll.u32 v3, $0x1  }
0x60: {  	v3 =	vand.u32 $0x7, v3;
	v4 =	vand.u32 $0xFFFFFFF0, v54  }
0x61: {  	v3 =	vor.u32 v3, v4  }
0x62: {  	v4 =	vperm.xlane v3, v0;
	_ =	sdelay $0x1  }
0x63: {  	v3 =	vperm.xlane v3, v2;
	v4 =	vadd.s32 v1, v4;
	_ =	sdelay $0x1  }
0x64: {  	v3 =	vadd.s32 v1, v3;
	_ =	sdelay $0x1  }
0x65: {  	s1 =	simm.s32 $0xC400  }
0x66: {  	[tilespmem:s1], [sflag:$0x2] =	stream.indirect_vreg.gather [hbm4b:s3+s2], $0x80, v4, vm0, $0xb8;
	[tilespmem:$0x1E400] =	vst v63  }
0x67: {  	s26 =	simm.s32 $0xCC00  }
0x68: {  	[tilespmem:s26], [sflag:$0x2] =	stream.indirect_vreg.gather [hbm4b:s3+s2], $0x80, v3, vm0, $0xb8;
	[tilespmem:$0x1E400] =	vst v63  }
0x69: {  	v3 =	vld [tilespmem:$0x70];
	_ =	sdelay $0x4  }
0x6a: {  	v55 =	vshll.u32 v3, $0x1  }
0x6b: {  	v3 =	vand.u32 $0x7, v3;
	v4 =	vand.u32 $0xFFFFFFF0, v55  }
0x6c: {  	v3 =	vor.u32 v3, v4  }
0x6d: {  	v4 =	vperm.xlane v3, v0;
	_ =	sdelay $0x1  }
0x6e: {  	v3 =	vperm.xlane v3, v2;
	v4 =	vadd.s32 v1, v4;
	_ =	sdelay $0x1  }
0x6f: {  	v3 =	vadd.s32 v1, v3;
	_ =	sdelay $0x1  }
0x70: {  	s28 =	simm.s32 $0xD400  }
0x71: {  	[tilespmem:s28], [sflag:$0x2] =	stream.indirect_vreg.gather [hbm4b:s3+s2], $0x80, v4, vm0, $0xb8;
	[tilespmem:$0x1E400] =	vst v63  }
0x72: {  	s29 =	simm.s32 $0xDC00  }
0x73: {  	[tilespmem:s29], [sflag:$0x2] =	stream.indirect_vreg.gather [hbm4b:s3+s2], $0x80, v3, vm0, $0xb8;
	[tilespmem:$0x1E400] =	vst v63  }
0x74: {  	v3 =	vld [tilespmem:$0x80];
	_ =	sdelay $0x4  }
0x75: {  	v56 =	vshll.u32 v3, $0x1  }
0x76: {  	v3 =	vand.u32 $0x7, v3;
	v4 =	vand.u32 $0xFFFFFFF0, v56  }
0x77: {  	v3 =	vor.u32 v3, v4  }
0x78: {  	v4 =	vperm.xlane v3, v0;
	_ =	sdelay $0x1  }
0x79: {  	v3 =	vperm.xlane v3, v2;
	v4 =	vadd.s32 v1, v4;
	_ =	sdelay $0x1  }
0x7a: {  	v3 =	vadd.s32 v1, v3;
	_ =	sdelay $0x2  }
0x7b: {  	[tilespmem:s30], [sflag:$0x3] =	stream.indirect_vreg.gather [hbm4b:s3+s2], $0x80, v4, vm0, $0xb8;
	[tilespmem:$0x1E400] =	vst v63  }
0x7c: {  	_ = 	snop  }
0x7d: {  	[tilespmem:s31], [sflag:$0x3] =	stream.indirect_vreg.gather [hbm4b:s3+s2], $0x80, v3, vm0, $0xb8;
	[tilespmem:$0x1E400] =	vst v63  }
0x7e: {  	v3 =	vld [tilespmem:$0x90];
	_ =	sdelay $0x4  }
0x7f: {  	v57 =	vshll.u32 v3, $0x1  }
0x80: {  	v3 =	vand.u32 $0x7, v3;
	v4 =	vand.u32 $0xFFFFFFF0, v57  }
0x81: {  	v3 =	vor.u32 v3, v4  }
0x82: {  	v4 =	vperm.xlane v3, v0;
	_ =	sdelay $0x1  }
0x83: {  	v3 =	vperm.xlane v3, v2;
	v4 =	vadd.s32 v1, v4;
	_ =	sdelay $0x1  }
0x84: {  	v3 =	vadd.s32 v1, v3;
	_ =	sdelay $0x2  }
0x85: {  	[tilespmem:s6], [sflag:$0x3] =	stream.indirect_vreg.gather [hbm4b:s3+s2], $0x80, v4, vm0, $0xb8;
	[tilespmem:$0x1E400] =	vst v63  }
0x86: {  	_ = 	snop  }
0x87: {  	[tilespmem:s10], [sflag:$0x3] =	stream.indirect_vreg.gather [hbm4b:s3+s2], $0x80, v3, vm0, $0xb8;
	[tilespmem:$0x1E400] =	vst v63  }
0x88: {  	v3 =	vld [tilespmem:$0xA0];
	_ =	sdelay $0x4  }
0x89: {  	v58 =	vshll.u32 v3, $0x1  }
0x8a: {  	v3 =	vand.u32 $0x7, v3;
	v4 =	vand.u32 $0xFFFFFFF0, v58  }
0x8b: {  	v3 =	vor.u32 v3, v4  }
0x8c: {  	v4 =	vperm.xlane v3, v0;
	_ =	sdelay $0x1  }
0x8d: {  	v3 =	vperm.xlane v3, v2;
	v4 =	vadd.s32 v1, v4;
	_ =	sdelay $0x1  }
0x8e: {  	v3 =	vadd.s32 v1, v3;
	_ =	sdelay $0x2  }
0x8f: {  	[tilespmem:s12], [sflag:$0x3] =	stream.indirect_vreg.gather [hbm4b:s3+s2], $0x80, v4, vm0, $0xb8;
	[tilespmem:$0x1E400] =	vst v63  }
0x90: {  	_ = 	snop  }
0x91: {  	[tilespmem:s13], [sflag:$0x3] =	stream.indirect_vreg.gather [hbm4b:s3+s2], $0x80, v3, vm0, $0xb8;
	[tilespmem:$0x1E400] =	vst v63  }
0x92: {  	v3 =	vld [tilespmem:$0xB0];
	_ =	sdelay $0x4  }
0x93: {  	v59 =	vshll.u32 v3, $0x1  }
0x94: {  	v3 =	vand.u32 $0x7, v3;
	v4 =	vand.u32 $0xFFFFFFF0, v59  }
0x95: {  	v3 =	vor.u32 v3, v4  }
0x96: {  	v4 =	vperm.xlane v3, v0;
	_ =	sdelay $0x1  }
0x97: {  	v3 =	vperm.xlane v3, v2;
	v4 =	vadd.s32 v1, v4;
	_ =	sdelay $0x1  }
0x98: {  	v3 =	vadd.s32 v1, v3;
	_ =	sdelay $0x2  }
0x99: {  	[tilespmem:s14], [sflag:$0x3] =	stream.indirect_vreg.gather [hbm4b:s3+s2], $0x80, v4, vm0, $0xb8;
	[tilespmem:$0x1E400] =	vst v63  }
0x9a: {  	_ = 	snop  }
0x9b: {  	[tilespmem:s9], [sflag:$0x3] =	stream.indirect_vreg.gather [hbm4b:s3+s2], $0x80, v3, vm0, $0xb8;
	[tilespmem:$0x1E400] =	vst v63  }
0x9c: {  	v3 =	vld [tilespmem:$0xC0];
	_ =	sdelay $0x4  }
0x9d: {  	v60 =	vshll.u32 v3, $0x1  }
0x9e: {  	v3 =	vand.u32 $0x7, v3;
	v4 =	vand.u32 $0xFFFFFFF0, v60  }
0x9f: {  	v3 =	vor.u32 v3, v4  }
0xa0: {  	v4 =	vperm.xlane v3, v0;
	_ =	sdelay $0x1  }
0xa1: {  	v3 =	vperm.xlane v3, v2;
	v4 =	vadd.s32 v1, v4;
	_ =	sdelay $0x1  }
0xa2: {  	v3 =	vadd.s32 v1, v3;
	_ =	sdelay $0x2  }
0xa3: {  	[tilespmem:s11], [sflag:$0x3] =	stream.indirect_vreg.gather [hbm4b:s3+s2], $0x80, v4, vm0, $0xb8;
	[tilespmem:$0x1E400] =	vst v63  }
0xa4: {  	_ = 	snop  }
0xa5: {  	[tilespmem:s5], [sflag:$0x3] =	stream.indirect_vreg.gather [hbm4b:s3+s2], $0x80, v3, vm0, $0xb8;
	[tilespmem:$0x1E400] =	vst v63  }
0xa6: {  	v3 =	vld [tilespmem:$0xD0];
	_ =	sdelay $0x4  }
0xa7: {  	v61 =	vshll.u32 v3, $0x1  }
0xa8: {  	v3 =	vand.u32 $0x7, v3;
	v4 =	vand.u32 $0xFFFFFFF0, v61  }
0xa9: {  	v3 =	vor.u32 v3, v4  }
0xaa: {  	v4 =	vperm.xlane v3, v0;
	_ =	sdelay $0x1  }
0xab: {  	v3 =	vperm.xlane v3, v2;
	v4 =	vadd.s32 v1, v4;
	_ =	sdelay $0x1  }
0xac: {  	v3 =	vadd.s32 v1, v3;
	_ =	sdelay $0x2  }
0xad: {  	[tilespmem:s8], [sflag:$0x3] =	stream.indirect_vreg.gather [hbm4b:s3+s2], $0x80, v4, vm0, $0xb8;
	[tilespmem:$0x1E400] =	vst v63  }
0xae: {  	_ = 	snop  }
0xaf: {  	[tilespmem:s15], [sflag:$0x3] =	stream.indirect_vreg.gather [hbm4b:s3+s2], $0x80, v3, vm0, $0xb8;
	[tilespmem:$0x1E400] =	vst v63  }
0xb0: {  	v3 =	vld [tilespmem:$0xE0];
	_ =	sdelay $0x4  }
0xb1: {  	v62 =	vshll.u32 v3, $0x1  }
0xb2: {  	v3 =	vand.u32 $0x7, v3;
	v4 =	vand.u32 $0xFFFFFFF0, v62  }
0xb3: {  	v3 =	vor.u32 v3, v4  }
0xb4: {  	v4 =	vperm.xlane v3, v0;
	_ =	sdelay $0x1  }
0xb5: {  	v3 =	vperm.xlane v3, v2;
	v4 =	vadd.s32 v1, v4;
	_ =	sdelay $0x1  }
0xb6: {  	v3 =	vadd.s32 v1, v3;
	_ =	sdelay $0x2  }
0xb7: {  	[tilespmem:s16], [sflag:$0x3] =	stream.indirect_vreg.gather [hbm4b:s3+s2], $0x80, v4, vm0, $0xb8;
	[tilespmem:$0x1E400] =	vst v63  }
0xb8: {  	_ = 	snop  }
0xb9: {  	[tilespmem:s17], [sflag:$0x3] =	stream.indirect_vreg.gather [hbm4b:s3+s2], $0x80, v3, vm0, $0xb8;
	[tilespmem:$0x1E400] =	vst v63  }
0xba: {  	v3 =	vld [tilespmem:$0xF0];
	_ =	sdelay $0x4  }
0xbb: {  	v63 =	vshll.u32 v3, $0x1  }
0xbc: {  	v3 =	vand.u32 $0x7, v3;
	v4 =	vand.u32 $0xFFFFFFF0, v63  }
0xbd: {  	v3 =	vor.u32 v3, v4  }
0xbe: {  	v4 =	vperm.xlane v3, v0;
	_ =	sdelay $0x1  }
0xbf: {  	v3 =	vperm.xlane v3, v2;
	v4 =	vadd.s32 v1, v4;
	_ =	sdelay $0x1  }
0xc0: {  	v3 =	vadd.s32 v1, v3;
	_ =	sdelay $0x2  }
0xc1: {  	[tilespmem:s18], [sflag:$0x3] =	stream.indirect_vreg.gather [hbm4b:s3+s2], $0x80, v4, vm0, $0xb8;
	[tilespmem:$0x1E400] =	vst v63  }
0xc2: {  	s26 =	simm.s32 $0x0  }
0xc3: {  	[tilespmem:s19], [sflag:$0x3] =	stream.indirect_vreg.gather [hbm4b:s3+s2], $0x80, v3, vm0, $0xb8;
	[tilespmem:$0x1E400] =	vst v63  }
.LBB2_2:
0xc4: {  	_ =	swait.ge [sflag:s20], $0x8000;
	s0 =	simm.s32 $0x0  }
0xc5: {  	[sflag:s20] =	ssyncset.done $0x0;
	s1 =	sand.u32 $0x7800, s0;
	s0 =	sand.u32 $0x380, s0  }
0xc6: {  	[sflag:s20] =	ssyncadd.s32 $0xFFFF8000;
	s0 =	sor.u32 s0, s1  }
0xc7: {  	v3 =	vld [tilespmem:s0+$0x6800];
	_ =	sdelay $0x3  }
0xc8: {  	s28 =	simm.s32 $0x16420  }
0xc9: {  	[tilespmem:s28+$0xFFFFFFE0] =	vst v3  }
0xca: {  	v3 =	vld [tilespmem:s0+$0x6810];
	_ =	sdelay $0x4  }
0xcb: {  	[tilespmem:s28+$0xFFFFFFF0] =	vst v3  }
0xcc: {  	v3 =	vld [tilespmem:s0+$0x6820];
	_ =	sdelay $0x4  }
0xcd: {  	[tilespmem:s28+$0x0] =	vst v3  }
0xce: {  	v3 =	vld [tilespmem:s0+$0x6830];
	_ =	sdelay $0x2  }
0xcf: {  	s29 =	simm.s32 $0x80;
	s1 =	simm.s32 $0x100  }
0xd0: {  	s30 =	simm.s32 $0x200;
	s31 =	sand.u32 $0x7800, s1;
	s0 =	sand.u32 $0x380, s29  }
.LBB2_3:
0xd1: {  	p0 =	sne.s32 s30, $0x7F00;
	s0 =	sor.u32 s0, s31;
	[tilespmem:s28+$0x10] =	vst v3  }
0xd2: {  	v3 =	vld [tilespmem:s0+$0x6800];
	_ =	sdelay $0x3  }
0xd3: {  	s28 =	sadd.s32 $0x80, s28  }
0xd4: {  	[tilespmem:s28+$0xFFFFFFE0] =	vst v3  }
0xd5: {  	v3 =	vld [tilespmem:s0+$0x6810];
	_ =	sdelay $0x4  }
0xd6: {  	[tilespmem:s28+$0xFFFFFFF0] =	vst v3  }
0xd7: {  	v3 =	vld [tilespmem:s0+$0x6820];
	_ =	sdelay $0x4  }
0xd8: {  	[tilespmem:s28+$0x0] =	vst v3  }
.Ltmp0:
0xd9: {  	v3 =	vld [tilespmem:s0+$0x6830];
	(pc) =	sbr.rel @p0 .LBB2_3-.Ltmp0, $3  }
0xda: {  	_ =	sdelay $0x1  }
0xdb: {  	s29 =	sadd.s32 $0x80, s29  }
0xdc: {  	s31 =	sand.u32 $0x7800, s30;
	s30 =	sadd.s32 $0x100, s30;
	s0 =	sand.u32 $0x380, s29  }
0xdd: {  	s0 =	sor.u32 s0, s31;
	[tilespmem:s28+$0x10] =	vst v3  }
0xde: {  	v3 =	vld [tilespmem:s0+$0x6800];
	_ =	sdelay $0x3  }
0xdf: {  	s1 =	sadd.s32 $0x80, s28  }
0xe0: {  	[tilespmem:s1+$0xFFFFFFE0] =	vst v3  }
0xe1: {  	v3 =	vld [tilespmem:s0+$0x6810];
	_ =	sdelay $0x4  }
0xe2: {  	[tilespmem:s1+$0xFFFFFFF0] =	vst v3  }
0xe3: {  	v3 =	vld [tilespmem:s0+$0x6820];
	_ =	sdelay $0x4  }
0xe4: {  	[tilespmem:s1+$0x0] =	vst v3  }
0xe5: {  	v3 =	vld [tilespmem:s0+$0x6830];
	_ =	sdelay $0x1  }
0xe6: {  	s28 =	sshll.u32 s26, $0x1;
	s0 =	rddreg [dreg:$0x3]  }
0xe7: {  	s0 =	sadd.s32 s0, s28  }
0xe8: {  	s0 =	sshll.u32 s0, $0xC  }
0xe9: {  	s29 =	simm.s32 $0x0;
	s30 =	simm.s32 $0x6400;
	[tilespmem:s1+$0x10] =	vst v3;
	s1 =	sadd.s32 s4, s0  }
0xea: {  	[hbm4b:s1+s29] =	stream.linear.scatter [tilespmem:s30], [sflag:$0x4], $0x400, $0x38;
	[tilespmem:$0x1E400] =	vst v63  }
0xeb: {  	s31 =	simm.s32 $0x6C00;
	s30 =	sadd.s32 $0x100, s1  }
0xec: {  	[hbm4b:s30+s29] =	stream.linear.scatter [tilespmem:s31], [sflag:$0x4], $0x400, $0x38;
	[tilespmem:$0x1E400] =	vst v63  }
0xed: {  	s30 =	sadd.s32 $0x200, s1;
	s31 =	simm.s32 $0x7400  }
0xee: {  	[hbm4b:s30+s29] =	stream.linear.scatter [tilespmem:s31], [sflag:$0x4], $0x400, $0x38;
	[tilespmem:$0x1E400] =	vst v63  }
0xef: {  	s30 =	sadd.s32 $0x300, s1;
	s31 =	simm.s32 $0x7C00  }
0xf0: {  	[hbm4b:s30+s29] =	stream.linear.scatter [tilespmem:s31], [sflag:$0x4], $0x400, $0x38;
	[tilespmem:$0x1E400] =	vst v63  }
0xf1: {  	s30 =	sadd.s32 $0x400, s1;
	s31 =	simm.s32 $0x8400  }
0xf2: {  	[hbm4b:s30+s29] =	stream.linear.scatter [tilespmem:s31], [sflag:$0x4], $0x400, $0x38;
	[tilespmem:$0x1E400] =	vst v63  }
0xf3: {  	s30 =	sadd.s32 $0x500, s1;
	s31 =	simm.s32 $0x8C00  }
0xf4: {  	[hbm4b:s30+s29] =	stream.linear.scatter [tilespmem:s31], [sflag:$0x4], $0x400, $0x38;
	[tilespmem:$0x1E400] =	vst v63  }
0xf5: {  	s30 =	sadd.s32 $0x600, s1;
	s31 =	simm.s32 $0x9400  }
0xf6: {  	[hbm4b:s30+s29] =	stream.linear.scatter [tilespmem:s31], [sflag:$0x4], $0x400, $0x38;
	[tilespmem:$0x1E400] =	vst v63  }
0xf7: {  	s30 =	sadd.s32 $0x700, s1;
	s31 =	simm.s32 $0x9C00  }
0xf8: {  	[hbm4b:s30+s29] =	stream.linear.scatter [tilespmem:s31], [sflag:$0x4], $0x400, $0x38;
	[tilespmem:$0x1E400] =	vst v63  }
0xf9: {  	s30 =	sadd.s32 $0x800, s1;
	s31 =	simm.s32 $0xA400  }
0xfa: {  	[hbm4b:s30+s29] =	stream.linear.scatter [tilespmem:s31], [sflag:$0x4], $0x400, $0x38;
	[tilespmem:$0x1E400] =	vst v63  }
0xfb: {  	s30 =	sadd.s32 $0x900, s1;
	s31 =	simm.s32 $0xAC00  }
0xfc: {  	[hbm4b:s30+s29] =	stream.linear.scatter [tilespmem:s31], [sflag:$0x4], $0x400, $0x38;
	[tilespmem:$0x1E400] =	vst v63  }
0xfd: {  	s30 =	sadd.s32 $0xA00, s1;
	s31 =	simm.s32 $0xB400  }
0xfe: {  	[hbm4b:s30+s29] =	stream.linear.scatter [tilespmem:s31], [sflag:$0x4], $0x400, $0x38;
	[tilespmem:$0x1E400] =	vst v63  }
0xff: {  	s30 =	sadd.s32 $0xB00, s1;
	s31 =	simm.s32 $0xBC00  }
0x100: {  	[hbm4b:s30+s29] =	stream.linear.scatter [tilespmem:s31], [sflag:$0x4], $0x400, $0x38;
	[tilespmem:$0x1E400] =	vst v63  }
0x101: {  	s30 =	sadd.s32 $0xC00, s1;
	s31 =	simm.s32 $0xC400  }
0x102: {  	[hbm4b:s30+s29] =	stream.linear.scatter [tilespmem:s31], [sflag:$0x4], $0x400, $0x38;
	[tilespmem:$0x1E400] =	vst v63  }
0x103: {  	s30 =	sadd.s32 $0xD00, s1;
	s31 =	simm.s32 $0xCC00  }
0x104: {  	[hbm4b:s30+s29] =	stream.linear.scatter [tilespmem:s31], [sflag:$0x4], $0x400, $0x38;
	[tilespmem:$0x1E400] =	vst v63  }
0x105: {  	s30 =	sadd.s32 $0xE00, s1;
	s31 =	simm.s32 $0xD400  }
0x106: {  	[hbm4b:s30+s29] =	stream.linear.scatter [tilespmem:s31], [sflag:$0x4], $0x400, $0x38;
	[tilespmem:$0x1E400] =	vst v63  }
0x107: {  	s1 =	sadd.s32 $0xF00, s1;
	s30 =	simm.s32 $0xDC00  }
0x108: {  	[hbm4b:s1+s29] =	stream.linear.scatter [tilespmem:s30], [sflag:$0x4], $0x400, $0x38;
	[tilespmem:$0x1E400] =	vst v63  }
0x109: {  	s0 =	sadd.s32 s0, s7;
	s1 =	simm.s32 $0x16400  }
0x10a: {  	[hbm4b:s0+s21] =	stream.strided.scatter [tilespmem:s1], [sflag:$0x4], $0x4000, s22, s21, $0x38;
	[tilespmem:$0x1E400] =	vst v63  }
0x10b: {  	_ =	swait.ge [sflag:s23], $0x8000  }
0x10c: {  	s0 =	sand.u32 $0x7800, s29;
	s1 =	sand.u32 $0x380, s29;
	[sflag:s23] =	ssyncset.done $0x0  }
0x10d: {  	s0 =	sor.u32 s1, s0;
	[sflag:s23] =	ssyncadd.s32 $0xFFFF8000  }
0x10e: {  	v3 =	vld [tilespmem:s0+$0xE800];
	_ =	sdelay $0x3  }
0x10f: {  	s29 =	simm.s32 $0x1A420  }
0x110: {  	[tilespmem:s29+$0xFFFFFFE0] =	vst v3  }
0x111: {  	v3 =	vld [tilespmem:s0+$0xE810];
	_ =	sdelay $0x4  }
0x112: {  	[tilespmem:s29+$0xFFFFFFF0] =	vst v3  }
0x113: {  	v3 =	vld [tilespmem:s0+$0xE820];
	_ =	sdelay $0x4  }
0x114: {  	[tilespmem:s29+$0x0] =	vst v3  }
0x115: {  	v3 =	vld [tilespmem:s0+$0xE830];
	_ =	sdelay $0x2  }
0x116: {  	s30 =	simm.s32 $0x80;
	s1 =	simm.s32 $0x100  }
0x117: {  	s31 =	simm.s32 $0x200;
	s0 =	sand.u32 $0x7800, s1;
	s1 =	sand.u32 $0x380, s30  }
.LBB2_5:
0x118: {  	p0 =	sne.s32 s31, $0x7F00;
	s0 =	sor.u32 s1, s0;
	[tilespmem:s29+$0x10] =	vst v3  }
0x119: {  	v3 =	vld [tilespmem:s0+$0xE800];
	_ =	sdelay $0x3  }
0x11a: {  	s29 =	sadd.s32 $0x80, s29  }
0x11b: {  	[tilespmem:s29+$0xFFFFFFE0] =	vst v3  }
0x11c: {  	v3 =	vld [tilespmem:s0+$0xE810];
	_ =	sdelay $0x4  }
0x11d: {  	[tilespmem:s29+$0xFFFFFFF0] =	vst v3  }
0x11e: {  	v3 =	vld [tilespmem:s0+$0xE820];
	_ =	sdelay $0x4  }
0x11f: {  	[tilespmem:s29+$0x0] =	vst v3  }
.Ltmp1:
0x120: {  	v3 =	vld [tilespmem:s0+$0xE830];
	(pc) =	sbr.rel @p0 .LBB2_5-.Ltmp1, $3  }
0x121: {  	_ =	sdelay $0x1  }
0x122: {  	s30 =	sadd.s32 $0x80, s30  }
0x123: {  	s1 =	sand.u32 $0x380, s30;
	s0 =	sand.u32 $0x7800, s31;
	s31 =	sadd.s32 $0x100, s31  }
0x124: {  	s0 =	sor.u32 s1, s0;
	[tilespmem:s29+$0x10] =	vst v3  }
0x125: {  	v3 =	vld [tilespmem:s0+$0xE800];
	_ =	sdelay $0x3  }
0x126: {  	s1 =	sadd.s32 $0x80, s29  }
0x127: {  	[tilespmem:s1+$0xFFFFFFE0] =	vst v3  }
0x128: {  	v3 =	vld [tilespmem:s0+$0xE810];
	_ =	sdelay $0x4  }
0x129: {  	[tilespmem:s1+$0xFFFFFFF0] =	vst v3  }
0x12a: {  	v3 =	vld [tilespmem:s0+$0xE820];
	_ =	sdelay $0x4  }
0x12b: {  	[tilespmem:s1+$0x0] =	vst v3  }
0x12c: {  	v3 =	vld [tilespmem:s0+$0xE830];
	_ =	sdelay $0x1  }
0x12d: {  	s29 =	rddreg [dreg:$0x5]  }
0x12e: {  	s0 =	sadd.s32 s28, s29  }
0x12f: {  	s0 =	sshll.u32 s0, $0xC  }
0x130: {  	s30 =	simm.s32 $0xE400;
	[tilespmem:s1+$0x10] =	vst v3;
	s1 =	sadd.s32 s4, s0  }
0x131: {  	[hbm4b:s1+s2] =	stream.linear.scatter [tilespmem:s30], [sflag:$0x5], $0x400, $0x38;
	[tilespmem:$0x1E400] =	vst v63  }
0x132: {  	s31 =	simm.s32 $0xEC00;
	s29 =	sadd.s32 $0x100, s1  }
0x133: {  	[hbm4b:s29+s2] =	stream.linear.scatter [tilespmem:s31], [sflag:$0x5], $0x400, $0x38;
	[tilespmem:$0x1E400] =	vst v63  }
0x134: {  	s29 =	sadd.s32 $0x200, s1  }
0x135: {  	[hbm4b:s29+s2] =	stream.linear.scatter [tilespmem:s6], [sflag:$0x5], $0x400, $0x38;
	[tilespmem:$0x1E400] =	vst v63  }
0x136: {  	s29 =	sadd.s32 $0x300, s1  }
0x137: {  	[hbm4b:s29+s2] =	stream.linear.scatter [tilespmem:s10], [sflag:$0x5], $0x400, $0x38;
	[tilespmem:$0x1E400] =	vst v63  }
0x138: {  	s29 =	sadd.s32 $0x400, s1  }
0x139: {  	[hbm4b:s29+s2] =	stream.linear.scatter [tilespmem:s12], [sflag:$0x5], $0x400, $0x38;
	[tilespmem:$0x1E400] =	vst v63  }
0x13a: {  	s29 =	sadd.s32 $0x500, s1  }
0x13b: {  	[hbm4b:s29+s2] =	stream.linear.scatter [tilespmem:s13], [sflag:$0x5], $0x400, $0x38;
	[tilespmem:$0x1E400] =	vst v63  }
0x13c: {  	s29 =	sadd.s32 $0x600, s1  }
0x13d: {  	[hbm4b:s29+s2] =	stream.linear.scatter [tilespmem:s14], [sflag:$0x5], $0x400, $0x38;
	[tilespmem:$0x1E400] =	vst v63  }
0x13e: {  	s29 =	sadd.s32 $0x700, s1  }
0x13f: {  	[hbm4b:s29+s2] =	stream.linear.scatter [tilespmem:s9], [sflag:$0x5], $0x400, $0x38;
	[tilespmem:$0x1E400] =	vst v63  }
0x140: {  	s29 =	sadd.s32 $0x800, s1  }
0x141: {  	[hbm4b:s29+s2] =	stream.linear.scatter [tilespmem:s11], [sflag:$0x5], $0x400, $0x38;
	[tilespmem:$0x1E400] =	vst v63  }
0x142: {  	s29 =	sadd.s32 $0x900, s1  }
0x143: {  	[hbm4b:s29+s2] =	stream.linear.scatter [tilespmem:s5], [sflag:$0x5], $0x400, $0x38;
	[tilespmem:$0x1E400] =	vst v63  }
0x144: {  	s29 =	sadd.s32 $0xA00, s1  }
0x145: {  	[hbm4b:s29+s2] =	stream.linear.scatter [tilespmem:s8], [sflag:$0x5], $0x400, $0x38;
	[tilespmem:$0x1E400] =	vst v63  }
0x146: {  	s29 =	sadd.s32 $0xB00, s1  }
0x147: {  	[hbm4b:s29+s2] =	stream.linear.scatter [tilespmem:s15], [sflag:$0x5], $0x400, $0x38;
	[tilespmem:$0x1E400] =	vst v63  }
0x148: {  	s29 =	sadd.s32 $0xC00, s1  }
0x149: {  	[hbm4b:s29+s2] =	stream.linear.scatter [tilespmem:s16], [sflag:$0x5], $0x400, $0x38;
	[tilespmem:$0x1E400] =	vst v63  }
0x14a: {  	s29 =	sadd.s32 $0xD00, s1  }
0x14b: {  	[hbm4b:s29+s2] =	stream.linear.scatter [tilespmem:s17], [sflag:$0x5], $0x400, $0x38;
	[tilespmem:$0x1E400] =	vst v63  }
0x14c: {  	s29 =	sadd.s32 $0xE00, s1  }
0x14d: {  	[hbm4b:s29+s2] =	stream.linear.scatter [tilespmem:s18], [sflag:$0x5], $0x400, $0x38;
	[tilespmem:$0x1E400] =	vst v63  }
0x14e: {  	s1 =	sadd.s32 $0xF00, s1  }
0x14f: {  	[hbm4b:s1+s2] =	stream.linear.scatter [tilespmem:s19], [sflag:$0x5], $0x400, $0x38;
	[tilespmem:$0x1E400] =	vst v63  }
0x150: {  	s28 =	simm.s32 $0x1A400;
	s0 =	sadd.s32 s0, s7  }
0x151: {  	[hbm4b:s0+s21] =	stream.strided.scatter [tilespmem:s28], [sflag:$0x5], $0x4000, s22, s21, $0x38;
	[tilespmem:$0x1E400] =	vst v63  }
0x152: {  	_ =	swait.ge [sflag:s24], $0x4000  }
0x153: {  	[sflag:s24] =	ssyncset.done $0x0  }
0x154: {  	[sflag:s24] =	ssyncadd.s32 $0xFFFFC000  }
0x155: {  	s26 =	sadd.s32 $0x1, s26;
	_ =	swait.ge [sflag:s24], $0x4000  }
0x156: {  	s29 =	sshll.u32 s26, $0x8;
	[sflag:s24] =	ssyncset.done $0x0  }
0x157: {  	s28 =	sand.u32 $0x3FFFFF00, s29;
	[sflag:s24] =	ssyncadd.s32 $0xFFFFC000  }
0x158: {  	v3 =	vld [tilespmem:s28+$0x0];
	_ =	sdelay $0x4  }
0x159: {  	v4 =	vshll.u32 v3, $0x1  }
0x15a: {  	v3 =	vand.u32 $0x7, v3;
	v4 =	vand.u32 $0xFFFFFFF0, v4  }
0x15b: {  	v3 =	vor.u32 v3, v4  }
0x15c: {  	v4 =	vperm.xlane v3, v0;
	_ =	sdelay $0x1  }
0x15d: {  	v3 =	vperm.xlane v3, v2;
	v4 =	vadd.s32 v1, v4;
	_ =	sdelay $0x1  }
0x15e: {  	v3 =	vadd.s32 v1, v3;
	_ =	sdelay $0x1  }
0x15f: {  	s1 =	simm.s32 $0x6400  }
0x160: {  	[tilespmem:s1], [sflag:$0x2] =	stream.indirect_vreg.gather [hbm4b:s3+s2], $0x80, v4, vm0, $0xb8;
	[tilespmem:$0x1E400] =	vst v63  }
0x161: {  	s29 =	simm.s32 $0x6C00  }
0x162: {  	[tilespmem:s29], [sflag:$0x2] =	stream.indirect_vreg.gather [hbm4b:s3+s2], $0x80, v3, vm0, $0xb8;
	[tilespmem:$0x1E400] =	vst v63  }
0x163: {  	v3 =	vld [tilespmem:s28+$0x10];
	_ =	sdelay $0x4  }
0x164: {  	v49 =	vshll.u32 v3, $0x1  }
0x165: {  	v3 =	vand.u32 $0x7, v3;
	v4 =	vand.u32 $0xFFFFFFF0, v49  }
0x166: {  	v3 =	vor.u32 v3, v4  }
0x167: {  	v4 =	vperm.xlane v3, v0;
	_ =	sdelay $0x1  }
0x168: {  	v3 =	vperm.xlane v3, v2;
	v4 =	vadd.s32 v1, v4;
	_ =	sdelay $0x1  }
0x169: {  	v3 =	vadd.s32 v1, v3;
	_ =	sdelay $0x1  }
0x16a: {  	s1 =	simm.s32 $0x7400  }
0x16b: {  	[tilespmem:s1], [sflag:$0x2] =	stream.indirect_vreg.gather [hbm4b:s3+s2], $0x80, v4, vm0, $0xb8;
	[tilespmem:$0x1E400] =	vst v63  }
0x16c: {  	s29 =	simm.s32 $0x7C00  }
0x16d: {  	[tilespmem:s29], [sflag:$0x2] =	stream.indirect_vreg.gather [hbm4b:s3+s2], $0x80, v3, vm0, $0xb8;
	[tilespmem:$0x1E400] =	vst v63  }
0x16e: {  	v3 =	vld [tilespmem:s28+$0x20];
	_ =	sdelay $0x4  }
0x16f: {  	v50 =	vshll.u32 v3, $0x1  }
0x170: {  	v3 =	vand.u32 $0x7, v3;
	v4 =	vand.u32 $0xFFFFFFF0, v50  }
0x171: {  	v3 =	vor.u32 v3, v4  }
0x172: {  	v4 =	vperm.xlane v3, v0;
	_ =	sdelay $0x1  }
0x173: {  	v3 =	vperm.xlane v3, v2;
	v4 =	vadd.s32 v1, v4;
	_ =	sdelay $0x1  }
0x174: {  	v3 =	vadd.s32 v1, v3;
	_ =	sdelay $0x1  }
0x175: {  	s1 =	simm.s32 $0x8400  }
0x176: {  	[tilespmem:s1], [sflag:$0x2] =	stream.indirect_vreg.gather [hbm4b:s3+s2], $0x80, v4, vm0, $0xb8;
	[tilespmem:$0x1E400] =	vst v63  }
0x177: {  	s29 =	simm.s32 $0x8C00  }
0x178: {  	[tilespmem:s29], [sflag:$0x2] =	stream.indirect_vreg.gather [hbm4b:s3+s2], $0x80, v3, vm0, $0xb8;
	[tilespmem:$0x1E400] =	vst v63  }
0x179: {  	v3 =	vld [tilespmem:s28+$0x30];
	_ =	sdelay $0x4  }
0x17a: {  	v51 =	vshll.u32 v3, $0x1  }
0x17b: {  	v3 =	vand.u32 $0x7, v3;
	v4 =	vand.u32 $0xFFFFFFF0, v51  }
0x17c: {  	v3 =	vor.u32 v3, v4  }
0x17d: {  	v4 =	vperm.xlane v3, v0;
	_ =	sdelay $0x1  }
0x17e: {  	v3 =	vperm.xlane v3, v2;
	v4 =	vadd.s32 v1, v4;
	_ =	sdelay $0x1  }
0x17f: {  	v3 =	vadd.s32 v1, v3;
	_ =	sdelay $0x1  }
0x180: {  	s1 =	simm.s32 $0x9400  }
0x181: {  	[tilespmem:s1], [sflag:$0x2] =	stream.indirect_vreg.gather [hbm4b:s3+s2], $0x80, v4, vm0, $0xb8;
	[tilespmem:$0x1E400] =	vst v63  }
0x182: {  	s29 =	simm.s32 $0x9C00  }
0x183: {  	[tilespmem:s29], [sflag:$0x2] =	stream.indirect_vreg.gather [hbm4b:s3+s2], $0x80, v3, vm0, $0xb8;
	[tilespmem:$0x1E400] =	vst v63  }
0x184: {  	v3 =	vld [tilespmem:s28+$0x40];
	_ =	sdelay $0x4  }
0x185: {  	v52 =	vshll.u32 v3, $0x1  }
0x186: {  	v3 =	vand.u32 $0x7, v3;
	v4 =	vand.u32 $0xFFFFFFF0, v52  }
0x187: {  	v3 =	vor.u32 v3, v4  }
0x188: {  	v4 =	vperm.xlane v3, v0;
	_ =	sdelay $0x1  }
0x189: {  	v3 =	vperm.xlane v3, v2;
	v4 =	vadd.s32 v1, v4;
	_ =	sdelay $0x1  }
0x18a: {  	v3 =	vadd.s32 v1, v3;
	_ =	sdelay $0x1  }
0x18b: {  	s1 =	simm.s32 $0xA400  }
0x18c: {  	[tilespmem:s1], [sflag:$0x2] =	stream.indirect_vreg.gather [hbm4b:s3+s2], $0x80, v4, vm0, $0xb8;
	[tilespmem:$0x1E400] =	vst v63  }
0x18d: {  	s29 =	simm.s32 $0xAC00  }
0x18e: {  	[tilespmem:s29], [sflag:$0x2] =	stream.indirect_vreg.gather [hbm4b:s3+s2], $0x80, v3, vm0, $0xb8;
	[tilespmem:$0x1E400] =	vst v63  }
0x18f: {  	v3 =	vld [tilespmem:s28+$0x50];
	_ =	sdelay $0x4  }
0x190: {  	v53 =	vshll.u32 v3, $0x1  }
0x191: {  	v3 =	vand.u32 $0x7, v3;
	v4 =	vand.u32 $0xFFFFFFF0, v53  }
0x192: {  	v3 =	vor.u32 v3, v4  }
0x193: {  	v4 =	vperm.xlane v3, v0;
	_ =	sdelay $0x1  }
0x194: {  	v3 =	vperm.xlane v3, v2;
	v4 =	vadd.s32 v1, v4;
	_ =	sdelay $0x1  }
0x195: {  	v3 =	vadd.s32 v1, v3;
	_ =	sdelay $0x1  }
0x196: {  	s1 =	simm.s32 $0xB400  }
0x197: {  	[tilespmem:s1], [sflag:$0x2] =	stream.indirect_vreg.gather [hbm4b:s3+s2], $0x80, v4, vm0, $0xb8;
	[tilespmem:$0x1E400] =	vst v63  }
0x198: {  	s29 =	simm.s32 $0xBC00  }
0x199: {  	[tilespmem:s29], [sflag:$0x2] =	stream.indirect_vreg.gather [hbm4b:s3+s2], $0x80, v3, vm0, $0xb8;
	[tilespmem:$0x1E400] =	vst v63  }
0x19a: {  	v3 =	vld [tilespmem:s28+$0x60];
	_ =	sdelay $0x4  }
0x19b: {  	v54 =	vshll.u32 v3, $0x1  }
0x19c: {  	v3 =	vand.u32 $0x7, v3;
	v4 =	vand.u32 $0xFFFFFFF0, v54  }
0x19d: {  	v3 =	vor.u32 v3, v4  }
0x19e: {  	v4 =	vperm.xlane v3, v0;
	_ =	sdelay $0x1  }
0x19f: {  	v3 =	vperm.xlane v3, v2;
	v4 =	vadd.s32 v1, v4;
	_ =	sdelay $0x1  }
0x1a0: {  	v3 =	vadd.s32 v1, v3;
	_ =	sdelay $0x1  }
0x1a1: {  	s1 =	simm.s32 $0xC400  }
0x1a2: {  	[tilespmem:s1], [sflag:$0x2] =	stream.indirect_vreg.gather [hbm4b:s3+s2], $0x80, v4, vm0, $0xb8;
	[tilespmem:$0x1E400] =	vst v63  }
0x1a3: {  	s29 =	simm.s32 $0xCC00  }
0x1a4: {  	[tilespmem:s29], [sflag:$0x2] =	stream.indirect_vreg.gather [hbm4b:s3+s2], $0x80, v3, vm0, $0xb8;
	[tilespmem:$0x1E400] =	vst v63  }
0x1a5: {  	v3 =	vld [tilespmem:s28+$0x70];
	_ =	sdelay $0x4  }
0x1a6: {  	v55 =	vshll.u32 v3, $0x1  }
0x1a7: {  	v3 =	vand.u32 $0x7, v3;
	v4 =	vand.u32 $0xFFFFFFF0, v55  }
0x1a8: {  	v3 =	vor.u32 v3, v4  }
0x1a9: {  	v4 =	vperm.xlane v3, v0;
	_ =	sdelay $0x1  }
0x1aa: {  	v3 =	vperm.xlane v3, v2;
	v4 =	vadd.s32 v1, v4;
	_ =	sdelay $0x1  }
0x1ab: {  	v3 =	vadd.s32 v1, v3;
	_ =	sdelay $0x1  }
0x1ac: {  	s1 =	simm.s32 $0xD400  }
0x1ad: {  	[tilespmem:s1], [sflag:$0x2] =	stream.indirect_vreg.gather [hbm4b:s3+s2], $0x80, v4, vm0, $0xb8;
	[tilespmem:$0x1E400] =	vst v63  }
0x1ae: {  	s29 =	simm.s32 $0xDC00  }
0x1af: {  	[tilespmem:s29], [sflag:$0x2] =	stream.indirect_vreg.gather [hbm4b:s3+s2], $0x80, v3, vm0, $0xb8;
	[tilespmem:$0x1E400] =	vst v63  }
0x1b0: {  	_ =	swait.ge [sflag:s25], $0x4000  }
0x1b1: {  	[sflag:s25] =	ssyncset.done $0x0  }
0x1b2: {  	[sflag:s25] =	ssyncadd.s32 $0xFFFFC000  }
0x1b3: {  	_ =	swait.ge [sflag:s25], $0x4000  }
0x1b4: {  	[sflag:s25] =	ssyncset.done $0x0  }
0x1b5: {  	[sflag:s25] =	ssyncadd.s32 $0xFFFFC000  }
0x1b6: {  	v3 =	vld [tilespmem:s28+$0x80];
	_ =	sdelay $0x4  }
0x1b7: {  	v56 =	vshll.u32 v3, $0x1  }
0x1b8: {  	v3 =	vand.u32 $0x7, v3;
	v4 =	vand.u32 $0xFFFFFFF0, v56  }
0x1b9: {  	v3 =	vor.u32 v3, v4  }
0x1ba: {  	v4 =	vperm.xlane v3, v0;
	_ =	sdelay $0x1  }
0x1bb: {  	v3 =	vperm.xlane v3, v2;
	v4 =	vadd.s32 v1, v4;
	_ =	sdelay $0x1  }
0x1bc: {  	v3 =	vadd.s32 v1, v3;
	_ =	sdelay $0x2  }
0x1bd: {  	[tilespmem:s30], [sflag:$0x3] =	stream.indirect_vreg.gather [hbm4b:s3+s2], $0x80, v4, vm0, $0xb8;
	[tilespmem:$0x1E400] =	vst v63  }
0x1be: {  	_ = 	snop  }
0x1bf: {  	[tilespmem:s31], [sflag:$0x3] =	stream.indirect_vreg.gather [hbm4b:s3+s2], $0x80, v3, vm0, $0xb8;
	[tilespmem:$0x1E400] =	vst v63  }
0x1c0: {  	v3 =	vld [tilespmem:s28+$0x90];
	_ =	sdelay $0x4  }
0x1c1: {  	v57 =	vshll.u32 v3, $0x1  }
0x1c2: {  	v3 =	vand.u32 $0x7, v3;
	v4 =	vand.u32 $0xFFFFFFF0, v57  }
0x1c3: {  	v3 =	vor.u32 v3, v4  }
0x1c4: {  	v4 =	vperm.xlane v3, v0;
	_ =	sdelay $0x1  }
0x1c5: {  	v3 =	vperm.xlane v3, v2;
	v4 =	vadd.s32 v1, v4;
	_ =	sdelay $0x1  }
0x1c6: {  	v3 =	vadd.s32 v1, v3;
	_ =	sdelay $0x2  }
0x1c7: {  	[tilespmem:s6], [sflag:$0x3] =	stream.indirect_vreg.gather [hbm4b:s3+s2], $0x80, v4, vm0, $0xb8;
	[tilespmem:$0x1E400] =	vst v63  }
0x1c8: {  	_ = 	snop  }
0x1c9: {  	[tilespmem:s10], [sflag:$0x3] =	stream.indirect_vreg.gather [hbm4b:s3+s2], $0x80, v3, vm0, $0xb8;
	[tilespmem:$0x1E400] =	vst v63  }
0x1ca: {  	v3 =	vld [tilespmem:s28+$0xA0];
	_ =	sdelay $0x4  }
0x1cb: {  	v58 =	vshll.u32 v3, $0x1  }
0x1cc: {  	v3 =	vand.u32 $0x7, v3;
	v4 =	vand.u32 $0xFFFFFFF0, v58  }
0x1cd: {  	v3 =	vor.u32 v3, v4  }
0x1ce: {  	v4 =	vperm.xlane v3, v0;
	_ =	sdelay $0x1  }
0x1cf: {  	v3 =	vperm.xlane v3, v2;
	v4 =	vadd.s32 v1, v4;
	_ =	sdelay $0x1  }
0x1d0: {  	v3 =	vadd.s32 v1, v3;
	_ =	sdelay $0x2  }
0x1d1: {  	[tilespmem:s12], [sflag:$0x3] =	stream.indirect_vreg.gather [hbm4b:s3+s2], $0x80, v4, vm0, $0xb8;
	[tilespmem:$0x1E400] =	vst v63  }
0x1d2: {  	_ = 	snop  }
0x1d3: {  	[tilespmem:s13], [sflag:$0x3] =	stream.indirect_vreg.gather [hbm4b:s3+s2], $0x80, v3, vm0, $0xb8;
	[tilespmem:$0x1E400] =	vst v63  }
0x1d4: {  	v3 =	vld [tilespmem:s28+$0xB0];
	_ =	sdelay $0x4  }
0x1d5: {  	v59 =	vshll.u32 v3, $0x1  }
0x1d6: {  	v3 =	vand.u32 $0x7, v3;
	v4 =	vand.u32 $0xFFFFFFF0, v59  }
0x1d7: {  	v3 =	vor.u32 v3, v4  }
0x1d8: {  	v4 =	vperm.xlane v3, v0;
	_ =	sdelay $0x1  }
0x1d9: {  	v3 =	vperm.xlane v3, v2;
	v4 =	vadd.s32 v1, v4;
	_ =	sdelay $0x1  }
0x1da: {  	v3 =	vadd.s32 v1, v3;
	_ =	sdelay $0x2  }
0x1db: {  	[tilespmem:s14], [sflag:$0x3] =	stream.indirect_vreg.gather [hbm4b:s3+s2], $0x80, v4, vm0, $0xb8;
	[tilespmem:$0x1E400] =	vst v63  }
0x1dc: {  	_ = 	snop  }
0x1dd: {  	[tilespmem:s9], [sflag:$0x3] =	stream.indirect_vreg.gather [hbm4b:s3+s2], $0x80, v3, vm0, $0xb8;
	[tilespmem:$0x1E400] =	vst v63  }
0x1de: {  	v3 =	vld [tilespmem:s28+$0xC0];
	_ =	sdelay $0x4  }
0x1df: {  	v60 =	vshll.u32 v3, $0x1  }
0x1e0: {  	v3 =	vand.u32 $0x7, v3;
	v4 =	vand.u32 $0xFFFFFFF0, v60  }
0x1e1: {  	v3 =	vor.u32 v3, v4  }
0x1e2: {  	v4 =	vperm.xlane v3, v0;
	_ =	sdelay $0x1  }
0x1e3: {  	v3 =	vperm.xlane v3, v2;
	v4 =	vadd.s32 v1, v4;
	_ =	sdelay $0x1  }
0x1e4: {  	v3 =	vadd.s32 v1, v3;
	_ =	sdelay $0x2  }
0x1e5: {  	[tilespmem:s11], [sflag:$0x3] =	stream.indirect_vreg.gather [hbm4b:s3+s2], $0x80, v4, vm0, $0xb8;
	[tilespmem:$0x1E400] =	vst v63  }
0x1e6: {  	_ = 	snop  }
0x1e7: {  	[tilespmem:s5], [sflag:$0x3] =	stream.indirect_vreg.gather [hbm4b:s3+s2], $0x80, v3, vm0, $0xb8;
	[tilespmem:$0x1E400] =	vst v63  }
0x1e8: {  	v3 =	vld [tilespmem:s28+$0xD0];
	_ =	sdelay $0x4  }
0x1e9: {  	v61 =	vshll.u32 v3, $0x1  }
0x1ea: {  	v3 =	vand.u32 $0x7, v3;
	v4 =	vand.u32 $0xFFFFFFF0, v61  }
0x1eb: {  	v3 =	vor.u32 v3, v4  }
0x1ec: {  	v4 =	vperm.xlane v3, v0;
	_ =	sdelay $0x1  }
0x1ed: {  	v3 =	vperm.xlane v3, v2;
	v4 =	vadd.s32 v1, v4;
	_ =	sdelay $0x1  }
0x1ee: {  	v3 =	vadd.s32 v1, v3;
	_ =	sdelay $0x2  }
0x1ef: {  	[tilespmem:s8], [sflag:$0x3] =	stream.indirect_vreg.gather [hbm4b:s3+s2], $0x80, v4, vm0, $0xb8;
	[tilespmem:$0x1E400] =	vst v63  }
0x1f0: {  	_ = 	snop  }
0x1f1: {  	[tilespmem:s15], [sflag:$0x3] =	stream.indirect_vreg.gather [hbm4b:s3+s2], $0x80, v3, vm0, $0xb8;
	[tilespmem:$0x1E400] =	vst v63  }
0x1f2: {  	v3 =	vld [tilespmem:s28+$0xE0];
	_ =	sdelay $0x4  }
0x1f3: {  	v62 =	vshll.u32 v3, $0x1  }
0x1f4: {  	v3 =	vand.u32 $0x7, v3;
	v4 =	vand.u32 $0xFFFFFFF0, v62  }
0x1f5: {  	v3 =	vor.u32 v3, v4  }
0x1f6: {  	v4 =	vperm.xlane v3, v0;
	_ =	sdelay $0x1  }
0x1f7: {  	v3 =	vperm.xlane v3, v2;
	v4 =	vadd.s32 v1, v4;
	_ =	sdelay $0x1  }
0x1f8: {  	v3 =	vadd.s32 v1, v3;
	_ =	sdelay $0x2  }
0x1f9: {  	[tilespmem:s16], [sflag:$0x3] =	stream.indirect_vreg.gather [hbm4b:s3+s2], $0x80, v4, vm0, $0xb8;
	[tilespmem:$0x1E400] =	vst v63  }
0x1fa: {  	_ = 	snop  }
0x1fb: {  	[tilespmem:s17], [sflag:$0x3] =	stream.indirect_vreg.gather [hbm4b:s3+s2], $0x80, v3, vm0, $0xb8;
	[tilespmem:$0x1E400] =	vst v63  }
0x1fc: {  	v3 =	vld [tilespmem:s28+$0xF0];
	_ =	sdelay $0x4  }
0x1fd: {  	v63 =	vshll.u32 v3, $0x1  }
0x1fe: {  	v3 =	vand.u32 $0x7, v3;
	v4 =	vand.u32 $0xFFFFFFF0, v63  }
0x1ff: {  	v3 =	vor.u32 v3, v4  }
0x200: {  	v4 =	vperm.xlane v3, v0;
	_ =	sdelay $0x1  }
0x201: {  	v3 =	vperm.xlane v3, v2;
	v4 =	vadd.s32 v1, v4;
	_ =	sdelay $0x1  }
0x202: {  	p0 =	sne.s32 s26, $0x63;
	v3 =	vadd.s32 v1, v3  }
.Ltmp2:
0x203: {  	_ = 	snop;
	(pc) =	sbr.rel @p0 .LBB2_2-.Ltmp2, $4  }
0x204: {  	_ = 	snop  }
0x205: {  	[tilespmem:s18], [sflag:$0x3] =	stream.indirect_vreg.gather [hbm4b:s3+s2], $0x80, v4, vm0, $0xb8;
	[tilespmem:$0x1E400] =	vst v63  }
0x206: {  	_ = 	snop  }
0x207: {  	[tilespmem:s19], [sflag:$0x3] =	stream.indirect_vreg.gather [hbm4b:s3+s2], $0x80, v3, vm0, $0xb8;
	[tilespmem:$0x1E400] =	vst v63  }
0x208: {  	_ =	swait.ge [sflag:s20], $0x8000;
	s0 =	simm.s32 $0x0  }
0x209: {  	[sflag:s20] =	ssyncset.done $0x0;
	s1 =	sand.u32 $0x7800, s0;
	s0 =	sand.u32 $0x380, s0  }
0x20a: {  	[sflag:s20] =	ssyncadd.s32 $0xFFFF8000;
	s0 =	sor.u32 s0, s1  }
0x20b: {  	v3 =	vld [tilespmem:s0+$0x6800];
	_ =	sdelay $0x3  }
0x20c: {  	s26 =	simm.s32 $0x16420  }
0x20d: {  	[tilespmem:s26+$0xFFFFFFE0] =	vst v3  }
0x20e: {  	v3 =	vld [tilespmem:s0+$0x6810];
	_ =	sdelay $0x4  }
0x20f: {  	[tilespmem:s26+$0xFFFFFFF0] =	vst v3  }
0x210: {  	v3 =	vld [tilespmem:s0+$0x6820];
	_ =	sdelay $0x4  }
0x211: {  	[tilespmem:s26+$0x0] =	vst v3  }
0x212: {  	v3 =	vld [tilespmem:s0+$0x6830];
	_ =	sdelay $0x2  }
0x213: {  	s28 =	simm.s32 $0x80;
	s1 =	simm.s32 $0x100  }
0x214: {  	s29 =	simm.s32 $0x200;
	s0 =	sand.u32 $0x7800, s1;
	s1 =	sand.u32 $0x380, s28  }
.LBB2_8:
0x215: {  	p0 =	sne.s32 s29, $0x7F00;
	s0 =	sor.u32 s1, s0;
	[tilespmem:s26+$0x10] =	vst v3  }
0x216: {  	v3 =	vld [tilespmem:s0+$0x6800];
	_ =	sdelay $0x3  }
0x217: {  	s26 =	sadd.s32 $0x80, s26  }
0x218: {  	[tilespmem:s26+$0xFFFFFFE0] =	vst v3  }
0x219: {  	v3 =	vld [tilespmem:s0+$0x6810];
	_ =	sdelay $0x4  }
0x21a: {  	[tilespmem:s26+$0xFFFFFFF0] =	vst v3  }
0x21b: {  	v3 =	vld [tilespmem:s0+$0x6820];
	_ =	sdelay $0x4  }
0x21c: {  	[tilespmem:s26+$0x0] =	vst v3  }
.Ltmp3:
0x21d: {  	v3 =	vld [tilespmem:s0+$0x6830];
	(pc) =	sbr.rel @p0 .LBB2_8-.Ltmp3, $3  }
0x21e: {  	_ =	sdelay $0x1  }
0x21f: {  	s28 =	sadd.s32 $0x80, s28  }
0x220: {  	s1 =	sand.u32 $0x380, s28;
	s0 =	sand.u32 $0x7800, s29;
	s29 =	sadd.s32 $0x100, s29  }
0x221: {  	s0 =	sor.u32 s1, s0;
	[tilespmem:s26+$0x10] =	vst v3  }
0x222: {  	v3 =	vld [tilespmem:s0+$0x6800];
	_ =	sdelay $0x3  }
0x223: {  	s26 =	sadd.s32 $0x80, s26  }
0x224: {  	[tilespmem:s26+$0xFFFFFFE0] =	vst v3  }
0x225: {  	v3 =	vld [tilespmem:s0+$0x6810];
	_ =	sdelay $0x4  }
0x226: {  	[tilespmem:s26+$0xFFFFFFF0] =	vst v3  }
0x227: {  	v3 =	vld [tilespmem:s0+$0x6820];
	_ =	sdelay $0x4  }
0x228: {  	[tilespmem:s26+$0x0] =	vst v3  }
0x229: {  	v3 =	vld [tilespmem:s0+$0x6830];
	_ =	sdelay $0x4  }
0x22a: {  	s1 =	simm.s32 $0x6400;
	s0 =	simm.s32 $0x0;
	[tilespmem:s26+$0x10] =	vst v3;
	s26 =	rddreg [dreg:$0x6]  }
0x22b: {  	[hbm4b:s26+s0] =	stream.linear.scatter [tilespmem:s1], [sflag:$0x4], $0x400, $0x38;
	[tilespmem:$0x1E400] =	vst v63  }
0x22c: {  	s28 =	simm.s32 $0x6C00;
	s1 =	sadd.s32 $0x100, s26  }
0x22d: {  	[hbm4b:s1+s0] =	stream.linear.scatter [tilespmem:s28], [sflag:$0x4], $0x400, $0x38;
	[tilespmem:$0x1E400] =	vst v63  }
0x22e: {  	s1 =	sadd.s32 $0x200, s26;
	s28 =	simm.s32 $0x7400  }
0x22f: {  	[hbm4b:s1+s0] =	stream.linear.scatter [tilespmem:s28], [sflag:$0x4], $0x400, $0x38;
	[tilespmem:$0x1E400] =	vst v63  }
0x230: {  	s1 =	sadd.s32 $0x300, s26;
	s28 =	simm.s32 $0x7C00  }
0x231: {  	[hbm4b:s1+s0] =	stream.linear.scatter [tilespmem:s28], [sflag:$0x4], $0x400, $0x38;
	[tilespmem:$0x1E400] =	vst v63  }
0x232: {  	s1 =	sadd.s32 $0x400, s26;
	s28 =	simm.s32 $0x8400  }
0x233: {  	[hbm4b:s1+s0] =	stream.linear.scatter [tilespmem:s28], [sflag:$0x4], $0x400, $0x38;
	[tilespmem:$0x1E400] =	vst v63  }
0x234: {  	s1 =	sadd.s32 $0x500, s26;
	s28 =	simm.s32 $0x8C00  }
0x235: {  	[hbm4b:s1+s0] =	stream.linear.scatter [tilespmem:s28], [sflag:$0x4], $0x400, $0x38;
	[tilespmem:$0x1E400] =	vst v63  }
0x236: {  	s1 =	sadd.s32 $0x600, s26;
	s28 =	simm.s32 $0x9400  }
0x237: {  	[hbm4b:s1+s0] =	stream.linear.scatter [tilespmem:s28], [sflag:$0x4], $0x400, $0x38;
	[tilespmem:$0x1E400] =	vst v63  }
0x238: {  	s1 =	sadd.s32 $0x700, s26;
	s28 =	simm.s32 $0x9C00  }
0x239: {  	[hbm4b:s1+s0] =	stream.linear.scatter [tilespmem:s28], [sflag:$0x4], $0x400, $0x38;
	[tilespmem:$0x1E400] =	vst v63  }
0x23a: {  	s1 =	sadd.s32 $0x800, s26;
	s28 =	simm.s32 $0xA400  }
0x23b: {  	[hbm4b:s1+s0] =	stream.linear.scatter [tilespmem:s28], [sflag:$0x4], $0x400, $0x38;
	[tilespmem:$0x1E400] =	vst v63  }
0x23c: {  	s1 =	sadd.s32 $0x900, s26;
	s28 =	simm.s32 $0xAC00  }
0x23d: {  	[hbm4b:s1+s0] =	stream.linear.scatter [tilespmem:s28], [sflag:$0x4], $0x400, $0x38;
	[tilespmem:$0x1E400] =	vst v63  }
0x23e: {  	s1 =	sadd.s32 $0xA00, s26;
	s28 =	simm.s32 $0xB400  }
0x23f: {  	[hbm4b:s1+s0] =	stream.linear.scatter [tilespmem:s28], [sflag:$0x4], $0x400, $0x38;
	[tilespmem:$0x1E400] =	vst v63  }
0x240: {  	s1 =	sadd.s32 $0xB00, s26;
	s28 =	simm.s32 $0xBC00  }
0x241: {  	[hbm4b:s1+s0] =	stream.linear.scatter [tilespmem:s28], [sflag:$0x4], $0x400, $0x38;
	[tilespmem:$0x1E400] =	vst v63  }
0x242: {  	s1 =	sadd.s32 $0xC00, s26;
	s28 =	simm.s32 $0xC400  }
0x243: {  	[hbm4b:s1+s0] =	stream.linear.scatter [tilespmem:s28], [sflag:$0x4], $0x400, $0x38;
	[tilespmem:$0x1E400] =	vst v63  }
0x244: {  	s1 =	sadd.s32 $0xD00, s26;
	s28 =	simm.s32 $0xCC00  }
0x245: {  	[hbm4b:s1+s0] =	stream.linear.scatter [tilespmem:s28], [sflag:$0x4], $0x400, $0x38;
	[tilespmem:$0x1E400] =	vst v63  }
0x246: {  	s1 =	sadd.s32 $0xE00, s26;
	s28 =	simm.s32 $0xD400  }
0x247: {  	[hbm4b:s1+s0] =	stream.linear.scatter [tilespmem:s28], [sflag:$0x4], $0x400, $0x38;
	[tilespmem:$0x1E400] =	vst v63  }
0x248: {  	s1 =	sadd.s32 $0xF00, s26;
	s26 =	simm.s32 $0xDC00  }
0x249: {  	[hbm4b:s1+s0] =	stream.linear.scatter [tilespmem:s26], [sflag:$0x4], $0x400, $0x38;
	[tilespmem:$0x1E400] =	vst v63  }
0x24a: {  	s1 =	rddreg [dreg:$0x7];
	s26 =	simm.s32 $0x16400  }
0x24b: {  	[hbm4b:s1+s21] =	stream.strided.scatter [tilespmem:s26], [sflag:$0x4], $0x4000, s22, s21, $0x38;
	[tilespmem:$0x1E400] =	vst v63  }
0x24c: {  	_ =	swait.ge [sflag:s23], $0x8000  }
0x24d: {  	s26 =	sand.u32 $0x7800, s0;
	s0 =	sand.u32 $0x380, s0;
	[sflag:s23] =	ssyncset.done $0x0  }
0x24e: {  	s0 =	sor.u32 s0, s26;
	[sflag:s23] =	ssyncadd.s32 $0xFFFF8000  }
0x24f: {  	v3 =	vld [tilespmem:s0+$0xE800];
	_ =	sdelay $0x3  }
0x250: {  	s26 =	simm.s32 $0x1A420  }
0x251: {  	[tilespmem:s26+$0xFFFFFFE0] =	vst v3  }
0x252: {  	v3 =	vld [tilespmem:s0+$0xE810];
	_ =	sdelay $0x4  }
0x253: {  	[tilespmem:s26+$0xFFFFFFF0] =	vst v3  }
0x254: {  	v3 =	vld [tilespmem:s0+$0xE820];
	_ =	sdelay $0x4  }
0x255: {  	[tilespmem:s26+$0x0] =	vst v3  }
0x256: {  	v3 =	vld [tilespmem:s0+$0xE830];
	_ =	sdelay $0x2  }
0x257: {  	s28 =	simm.s32 $0x80;
	s1 =	simm.s32 $0x100  }
0x258: {  	s29 =	simm.s32 $0x200;
	s0 =	sand.u32 $0x7800, s1;
	s1 =	sand.u32 $0x380, s28  }
.LBB2_10:
0x259: {  	p0 =	sne.s32 s29, $0x7F00;
	s0 =	sor.u32 s1, s0;
	[tilespmem:s26+$0x10] =	vst v3  }
0x25a: {  	v3 =	vld [tilespmem:s0+$0xE800];
	_ =	sdelay $0x3  }
0x25b: {  	s26 =	sadd.s32 $0x80, s26  }
0x25c: {  	[tilespmem:s26+$0xFFFFFFE0] =	vst v3  }
0x25d: {  	v3 =	vld [tilespmem:s0+$0xE810];
	_ =	sdelay $0x4  }
0x25e: {  	[tilespmem:s26+$0xFFFFFFF0] =	vst v3  }
0x25f: {  	v3 =	vld [tilespmem:s0+$0xE820];
	_ =	sdelay $0x4  }
0x260: {  	[tilespmem:s26+$0x0] =	vst v3  }
.Ltmp4:
0x261: {  	v3 =	vld [tilespmem:s0+$0xE830];
	(pc) =	sbr.rel @p0 .LBB2_10-.Ltmp4, $3  }
0x262: {  	_ =	sdelay $0x1  }
0x263: {  	s28 =	sadd.s32 $0x80, s28  }
0x264: {  	s1 =	sand.u32 $0x380, s28;
	s0 =	sand.u32 $0x7800, s29;
	s29 =	sadd.s32 $0x100, s29  }
0x265: {  	s0 =	sor.u32 s1, s0;
	[tilespmem:s26+$0x10] =	vst v3  }
0x266: {  	v3 =	vld [tilespmem:s0+$0xE800];
	_ =	sdelay $0x3  }
0x267: {  	s29 =	sadd.s32 $0x80, s26  }
0x268: {  	[tilespmem:s29+$0xFFFFFFE0] =	vst v3  }
0x269: {  	v3 =	vld [tilespmem:s0+$0xE810];
	_ =	sdelay $0x4  }
0x26a: {  	[tilespmem:s29+$0xFFFFFFF0] =	vst v3  }
0x26b: {  	v3 =	vld [tilespmem:s0+$0xE820];
	_ =	sdelay $0x4  }
0x26c: {  	[tilespmem:s29+$0x0] =	vst v3  }
0x26d: {  	v3 =	vld [tilespmem:s0+$0xE830];
	_ =	sdelay $0x4  }
0x26e: {  	s1 =	rddreg [dreg:$0x8];
	[tilespmem:s29+$0x10] =	vst v3  }
0x26f: {  	[hbm4b:s1+s2] =	stream.linear.scatter [tilespmem:s30], [sflag:$0x5], $0x400, $0x38;
	[tilespmem:$0x1E400] =	vst v63  }
0x270: {  	s26 =	sadd.s32 $0x100, s1  }
0x271: {  	[hbm4b:s26+s2] =	stream.linear.scatter [tilespmem:s31], [sflag:$0x5], $0x400, $0x38;
	[tilespmem:$0x1E400] =	vst v63  }
0x272: {  	s28 =	sadd.s32 $0x200, s1  }
0x273: {  	[hbm4b:s28+s2] =	stream.linear.scatter [tilespmem:s6], [sflag:$0x5], $0x400, $0x38;
	[tilespmem:$0x1E400] =	vst v63  }
0x274: {  	s29 =	sadd.s32 $0x300, s1  }
0x275: {  	[hbm4b:s29+s2] =	stream.linear.scatter [tilespmem:s10], [sflag:$0x5], $0x400, $0x38;
	[tilespmem:$0x1E400] =	vst v63  }
0x276: {  	s26 =	sadd.s32 $0x400, s1  }
0x277: {  	[hbm4b:s26+s2] =	stream.linear.scatter [tilespmem:s12], [sflag:$0x5], $0x400, $0x38;
	[tilespmem:$0x1E400] =	vst v63  }
0x278: {  	s28 =	sadd.s32 $0x500, s1  }
0x279: {  	[hbm4b:s28+s2] =	stream.linear.scatter [tilespmem:s13], [sflag:$0x5], $0x400, $0x38;
	[tilespmem:$0x1E400] =	vst v63  }
0x27a: {  	s29 =	sadd.s32 $0x600, s1  }
0x27b: {  	[hbm4b:s29+s2] =	stream.linear.scatter [tilespmem:s14], [sflag:$0x5], $0x400, $0x38;
	[tilespmem:$0x1E400] =	vst v63  }
0x27c: {  	s26 =	sadd.s32 $0x700, s1  }
0x27d: {  	[hbm4b:s26+s2] =	stream.linear.scatter [tilespmem:s9], [sflag:$0x5], $0x400, $0x38;
	[tilespmem:$0x1E400] =	vst v63  }
0x27e: {  	s28 =	sadd.s32 $0x800, s1  }
0x27f: {  	[hbm4b:s28+s2] =	stream.linear.scatter [tilespmem:s11], [sflag:$0x5], $0x400, $0x38;
	[tilespmem:$0x1E400] =	vst v63  }
0x280: {  	s29 =	sadd.s32 $0x900, s1  }
0x281: {  	[hbm4b:s29+s2] =	stream.linear.scatter [tilespmem:s5], [sflag:$0x5], $0x400, $0x38;
	[tilespmem:$0x1E400] =	vst v63  }
0x282: {  	s26 =	sadd.s32 $0xA00, s1  }
0x283: {  	[hbm4b:s26+s2] =	stream.linear.scatter [tilespmem:s8], [sflag:$0x5], $0x400, $0x38;
	[tilespmem:$0x1E400] =	vst v63  }
0x284: {  	s28 =	sadd.s32 $0xB00, s1  }
0x285: {  	[hbm4b:s28+s2] =	stream.linear.scatter [tilespmem:s15], [sflag:$0x5], $0x400, $0x38;
	[tilespmem:$0x1E400] =	vst v63  }
0x286: {  	s29 =	sadd.s32 $0xC00, s1  }
0x287: {  	[hbm4b:s29+s2] =	stream.linear.scatter [tilespmem:s16], [sflag:$0x5], $0x400, $0x38;
	[tilespmem:$0x1E400] =	vst v63  }
0x288: {  	s26 =	sadd.s32 $0xD00, s1  }
0x289: {  	[hbm4b:s26+s2] =	stream.linear.scatter [tilespmem:s17], [sflag:$0x5], $0x400, $0x38;
	[tilespmem:$0x1E400] =	vst v63  }
0x28a: {  	s28 =	sadd.s32 $0xE00, s1  }
0x28b: {  	[hbm4b:s28+s2] =	stream.linear.scatter [tilespmem:s18], [sflag:$0x5], $0x400, $0x38;
	[tilespmem:$0x1E400] =	vst v63  }
0x28c: {  	s29 =	sadd.s32 $0xF00, s1  }
0x28d: {  	[hbm4b:s29+s2] =	stream.linear.scatter [tilespmem:s19], [sflag:$0x5], $0x400, $0x38;
	[tilespmem:$0x1E400] =	vst v63  }
0x28e: {  	s1 =	rddreg [dreg:$0x9];
	s26 =	simm.s32 $0x1A400  }
0x28f: {  	[hbm4b:s1+s21] =	stream.strided.scatter [tilespmem:s26], [sflag:$0x5], $0x4000, s22, s21, $0x38;
	[tilespmem:$0x1E400] =	vst v63  }
0x290: {  	_ =	swait.ge [sflag:s24], $0x4000  }
0x291: {  	[sflag:s24] =	ssyncset.done $0x0  }
0x292: {  	[sflag:s24] =	ssyncadd.s32 $0xFFFFC000  }
0x293: {  	_ =	swait.ge [sflag:s24], $0x4000  }
0x294: {  	[sflag:s24] =	ssyncset.done $0x0  }
0x295: {  	[sflag:s24] =	ssyncadd.s32 $0xFFFFC000  }
0x296: {  	_ =	swait.ge [sflag:s25], $0x4000  }
0x297: {  	[sflag:s25] =	ssyncset.done $0x0  }
0x298: {  	[sflag:s25] =	ssyncadd.s32 $0xFFFFC000  }
0x299: {  	_ =	swait.ge [sflag:s25], $0x4000  }
0x29a: {  	s28 =	rddreg [dreg:$0xb]  }
0x29b: {  	s29 =	rddreg [dreg:$0xa];
	s1 =	sadd.s32 $0x1, s28  }
0x29c: {  	p0 =	sne.s32 s1, s29  }
.Ltmp5:
0x29d: {  	_ = 	snop;
	(pc) =	sbr.rel @p0 .LBB2_1-.Ltmp5, $3  }
0x29e: {  	_ =	sdelay $0x1  }
0x29f: {  	[sflag:s25] =	ssyncset.done $0x0  }
0x2a0: {  	[sflag:s25] =	ssyncadd.s32 $0xFFFFC000  }
0x2a1: {  	_ =	sfence.sel $0x180000  }
0x2a2: {  	[bflag:$0x0] =	sbarrier.arrive $0xFFFF  }
0x2a3: {  	_ =	strace $0x90000047  }
0x2a4: {  	s0 =	stileid.u32;
	[bflag:$0x2] =	sbarrier.arrive $0xFFFF  }
0x2a5: {  	p0 =	sne.s32 s0, $0x0;
	s0 =	rddreg [dreg:$0x2]  }
0x2a6: {  	s0 =	sadd.s32 @!p0 $0x100000, s0  }
0x2a7: {  	[sflag:s0] =	ssyncadd.tile.s32 @!p0 $0x1;
	_ =	shalt  }
.Lfunc_end2:
_tile_overlayer_lowered:
.L_overlay_start_2:
0x2a8: {  	(tag) =	ssettag $0x2  }
0x2a9: {  	s0 =	rddreg [dreg:$0x0];
	s2 =	stileid.u32  }
0x2aa: {  	s1 =	rddreg [dreg:$0x1];
	p0 =	sne.s32 s2, $0x0  }
0x2ab: {  	s3 =	rddreg [dreg:$0x2];
	[bflag:$0x3] =	sbarrier.arrive $0xFFFF;
	s2 =	simm.s32 @!p0 $0x1C06  }
0x2ac: {  	[timem:s3], [sflag:s2] =	dma.local @!p0 [hbm:s0], s1  }
0x2ad: {  	s0 =	simm.s32 @!p0 $0x6  }
0x2ae: {  	_ =	swait.ge @!p0 [sflag:s0], s1  }
0x2af: {  	s1 =	ssub.s32 @!p0 $0x0, s1;
	[sflag:s0] =	ssyncset.done @!p0 $0x0  }
0x2b0: {  	[sflag:s0] =	ssyncadd.s32 @!p0 s1  }
0x2b1: {  	[bflag:$0x3] =	sbarrier.arrive $0xFFFF  }
0x2b2: {  	_ =	shalt  }

// kernel: sparse-core-data-format-call.cloned.1.call-start
scs
called_computation_lowered:
.L_overlay_start_0:
0x0: {  	s2 =	sld [smem:$0x3FD9]  }
0x1: {  	s3 =	sld [smem:$0x3FFE];
	_ =	sdelay $0x1  }
0x2: {  	s1 =	srdreg.scid  }
0x3: {  	s0 =	sand.u32 $0x1, s1  }
0x4: {  	s18 =	sshll.u32 s0, $0xA;
	s2 =	sadd.s32 s3, s2  }
0x5: {  	s2 =	sadd.s32 s2, s18  }
0x6: {  	[smem:$0x3FC5] =	sst s2  }
0x7: {  	_ = 	snop  }
0x8: {  	s2 =	sld [smem:$0x3FD0];
	(tm) =	ssettm $0x1  }
0x9: {  	s19 =	sld [smem:$0x3FFB];
	_ =	sdelay $0x3  }
0xa: {  	_ =	strace s19  }
0xb: {  	s3 =	sld [smem:$0x3FFC];
	_ =	sdelay $0x3  }
0xc: {  	_ =	strace s3  }
0xd: {  	s3 =	sld [smem:$0x3FFD];
	_ =	sdelay $0x3  }
0xe: {  	_ =	strace s3  }
0xf: {  	_ =	strace $0x8FFFFFFF  }
0x10: {  	s20 =	sld [smem:$0x3FDB];
	_ =	sdelay $0x1  }
0x11: {  	s4 =	simm.s32 $_scs_section_size  }
0x12: {  	s5 =	simm.s32 $_size__tile_overlayer_lowered;
	s6 =	simm.s32 $_tile_overlayer_lowered  }
0x13: {  	s23 =	simm.s32 $0x1BFF;
	s22 =	sshll.u32 s6, $0x1;
	s3 =	sadd.s32 s4, s20  }
0x14: {  	s7 =	simm.s32 $0x0;
	s21 =	sshll.u32 s5, $0x1;
	s5 =	sadd.s32 s22, s3  }
0x15: {  	[timem:s7], [sflag:s23] =	dma.local [hbm:s5], s21  }
0x16: {  	_ =	swait.ge [sflag:s23], s21  }
0x17: {  	s4 =	ssub.s32 $0x0, s21;
	[sflag:s23] =	ssyncset.done $0x0  }
0x18: {  	[sflag:s23] =	ssyncadd.s32 s4;
	_ =	sdelay $0x1  }
0x19: {  	s24 =	simm.s32 $0x1B8B  }
0x1a: {  	_ =	swait.ge [sflag:s24], $0x1  }
0x1b: {  	[sflag:s24] =	ssyncset.done $0x0  }
0x1c: {  	s26 =	simm.s32 $0x1B8E;
	s25 =	sld [smem:$0x3FFE];
	[sflag:s24] =	ssyncadd.s32 $0xFFFFFFFF  }
0x1d: {  	s27 =	simm.s32 $execute0_lowered;
	[smem:$0x3FD2] =	sst s26  }
0x1e: {  	s5 =	sshll.u32 s27, $0x1;
	_ =	strace $0x80000049;
	[dreg:$0x1] =	wrdreg $0xFFFFFFFF  }
0x1f: {  	s28 =	simm.s32 $_size_execute0_lowered;
	s3 =	sadd.s32 s3, s5;
	[dreg:$0x0] =	wrdreg $0x0  }
0x20: {  	s5 =	sshll.u32 s28, $0x1;
	[dreg:$0x2] =	wrdreg s3  }
0x21: {  	[dreg:$0x3] =	wrdreg s5  }
0x22: {  	[dreg:$0x4] =	wrdreg $0xC0  }
0x23: {  	_ =	task [dreg:s7], $0x5FFFF  }
0x24: {  	[dreg:$0x1] =	wrdreg $0xFFFFFFFF  }
0x25: {  	[dreg:$0x0] =	wrdreg $0x60  }
0x26: {  	[dreg:$0x2] =	wrdreg s25  }
0x27: {  	[dreg:$0x3] =	wrdreg s2  }
0x28: {  	[dreg:$0x4] =	wrdreg $0x9  }
0x29: {  	_ =	task.clear_ibuf [dreg:s7], $0x5FFFF;
	_ =	strace $0x90000049  }
0x2a: {  	s29 =	simm.s32 $0x9;
	_ =	strace $0x8000004B  }
0x2b: {  	_ =	swait.ge [sflag:s29], $0x1  }
0x2c: {  	[sflag:s29] =	ssyncadd.s32 $0xFFFFFFFF  }
0x2d: {  	_ =	strace $0x9000004B  }
0x2e: {  	_ =	sfence  }
0x2f: {  	s30 =	sld [smem:$0x0];
	_ =	sdelay $0x2  }
0x30: {  	s31 =	sshll.u32 s1, $0xD;
	s1 =	sshrl.u32 s1, $0x2  }
0x31: {  	s3 =	sand.u32 $0x4000, s31;
	s1 =	sadd.s32 s1, s30  }
0x32: {  	s0 =	sor.u32 s3, s0;
	s1 =	sshll.u32 s1, $0x11  }
0x33: {  	s0 =	sor.u32 s1, s0  }
0x34: {  	s0 =	sadd.s32 $0x8F2B, s0  }
0x35: {  	[sflag:s0] =	ssyncadd.remote.s32 $0x1  }
0x36: {  	_ =	sfence.sel $0xFFFF  }
0x37: {  	[dreg:$0x0] =	wrdreg $0xFFFFFFFF;
	(pc) =	sbr.abs _section_cstart, $3  }
0x38: {  	[dreg:$0x1] =	wrdreg $0xFFFFFFFF  }
0x39: {  	_ =	task.clear_ibuf [dreg:s7], $0x2FFFF;
	_ =	strace $0x9FFFFFFF  }
0x3a: {  	(tm) =	ssettm $0x7FFFFFFF  }
0x3b: {  	_ =	shalt  }
tec
execute0_lowered:
.L_overlay_start_1:
0x0: {  	(tag) =	ssettag $0x1  }
0x1: {  	s0 =	srdreg.scid;
	s6 =	rddreg [dreg:$0x0]  }
0x2: {  	s3 =	rddreg [dreg:$0x1];
	s1 =	sshll.u32 s0, $0x4  }
0x3: {  	s5 =	simm.s32 $0x1;
	s0 =	stileid.u32;
	s1 =	sand.u32 $0x10, s1  }
0x4: {  	s31 =	simm.s32 $0x2;
	s16 =	simm.s32 $0x0;
	s1 =	sor.u32 s0, s1  }
0x5: {  	s8 =	simm.s32 $0x8000;
	s18 =	simm.s32 $0x0;
	s2 =	sshll.u32 s1, $0x7  }
0x6: {  	s17 =	simm.s32 $0x0;
	s9 =	simm.s32 $0x0;
	s4 =	ssub.s32 $0x1000, s2  }
0x7: {  	s10 =	simm.s32 $0x0;
	s11 =	simm.s32 $0x0;
	s30 =	sand.u32 $0xF80, s4  }
0x8: {  	s12 =	simm.s32 $0x0;
	s13 =	simm.s32 $0x0;
	p0 =	sne.s32 s30, $0x0  }
.Ltmp0:
0x9: {  	s7 =	sshrl.u32 s4, $0xC;
	s5 =	simm.s32 @!p0 $0x0;
	(pc) =	sbr.rel .LBB1_1-.Ltmp0, $4  }
0xa: {  	s15 =	simm.s32 $0x0;
	s1 =	rddreg [dreg:$0x2];
	s5 =	sadd.s32 s5, s7  }
0xb: {  	_ =	strace $0x8000004A;
	s4 =	simm.s32 $0x1;
	s5 =	smul.u32 $0x190, s5  }
0xc: {  	s6 =	sadd.s32 $0x8800, s6;
	s14 =	smov.u32 s2;
	[sflag:s4] =	ssyncpa.u1 $0x0  }
0xd: {  	[sflag:s31] =	ssyncpa.u1 $0x0;
	p0 =	por $0x0, $0x0;
	s7 =	sor.u32 $0x1, s5  }
.LBB1_4:
0xe: {  	s23 =	sshra.s32 s23, $0x2;
	s30 =	sshll.u32 s9, $0xC  }
0xf: {  	p1 =	sgt.s32 s10, $0xC7;
	s24 =	smov.u32 s10;
	s25 =	sshra.s32 s10, $0x1F  }
0x10: {  	s26 =	sshll.u32 s11, $0x3;
	s28 =	smov.u32 s11;
	s29 =	sshra.s32 s11, $0x1F  }
0x11: {  	s22 =	sadd.s32 s23, s22;
	s24 =	simm.s32 @!p1 $0xC7;
	s25 =	sand.u32 s25, s10  }
0x12: {  	s23 =	sand.u32 $0xFFFF8000, s30;
	s27 =	sand.u32 $0xFFFFFC00, s26;
	p1 =	sgt.s32 s9, $0x40  }
0x13: {  	s31 =	sand.u32 s29, s11;
	s29 =	sshll.u32 s9, $0x7;
	s30 =	sshra.s32 s9, $0x1F  }
0x14: {  	[tilespmem:s21+$0x2040 ss:$0x81] =	vst.msk $0xffff, v4;
	s24 =	ssub.s32 s24, s25;
	s23 =	sadd.s32 s27, s23;
	s27 =	smov.u32 s9  }
0x15: {  	[tilespmem:s21+$0x2850 ss:$0x81] =	vst.msk $0xffff, v3;
	s29 =	sand.u32 $0x380, s29;
	s25 =	sadd.s32 $0xFFFFFF39, s24;
	s27 =	simm.s32 @!p1 $0x40  }
0x16: {  	v5 =	vld [tilespmem:s20+$0xFFFFFFD0];
	[tilespmem:s21+$0x3060 ss:$0x81] =	vst.msk $0xffff, v2;
	p1 =	sgt.s32 s11, $0xF80;
	s23 =	sshrl.u32 s23, $0xC;
	s24 =	ssub.s32 $0xC8, s24  }
0x17: {  	v58 =	vld [tilespmem:s20+$0xFFFFFFE0];
	[tilespmem:s21+$0x0 ss:$0x81] =	vst.msk $0xffff, v1;
	s28 =	simm.s32 @!p1 $0xF80;
	p1 =	sgt.s32 s25, $0x0;
	s21 =	smulhi.u32 $0x1555556, s23  }
0x18: {  	v59 =	vld [tilespmem:s20+$0xFFFFFFF0];
	s25 =	ssub.s32 s28, s31;
	s28 =	sand.u32 s30, s9;
	s24 =	simm.s32 @p1 $0x0  }
0x19: {  	v60 =	vld [tilespmem:s20+$0x0];
	s27 =	ssub.s32 s27, s28;
	s31 =	sadd.s32 $0xFFFFF080, s25;
	s25 =	ssub.s32 $0x1000, s25  }
0x1a: {  	v61 =	vld [tilespmem:s20+$0x10];
	[tilespmem:s22+$0x3870 ss:$0x81] =	vst.msk $0xffff, v0;
	s21 =	smul.u32 $0xC0, s21;
	s28 =	sand.u32 $0x7, s11;
	p1 =	sgt.s32 s31, $0x7F  }
0x1b: {  	v62 =	vld [tilespmem:s20+$0x20];
	[tilespmem:s22+$0x810 ss:$0x81] =	vst.msk $0xffff, v5;
	s30 =	sadd.s32 $0xFFFFFFC0, s27;
	s31 =	sand.u32 $0x78, s11;
	s25 =	simm.s32 @p1 $0x0  }
0x1c: {  	v63 =	vld [tilespmem:s20+$0xFFFFFFC0];
	[tilespmem:s22+$0x1020 ss:$0x81] =	vst.msk $0xffff, v58;
	p1 =	sgt.s32 s30, $0x7F;
	s30 =	sand.u32 $0xC00, s26;
	s24 =	smul.u32 s25, s24  }
0x1d: {  	[tilespmem:s22+$0x1830 ss:$0x81] =	vst.msk $0xffff, v59;
	s26 =	ssub.s32 $0xC0, s27;
	s20 =	sor.u32 s31, s30;
	s31 =	smul.u32 $0x18000, s10  }
0x1e: {  	[tilespmem:s22+$0x2040 ss:$0x81] =	vst.msk $0xffff, v60;
	s21 =	ssub.s32 s23, s21;
	s26 =	simm.s32 @p1 $0x0;
	s20 =	sor.u32 s29, s20  }
0x1f: {  	[tilespmem:s22+$0x2850 ss:$0x81] =	vst.msk $0xffff, v61;
	s26 =	smul.u32 s26, s24;
	s20 =	sshrl.u32 s20, $0x3;
	s27 =	sadd.s32 s3, s31  }
0x20: {  	[tilespmem:s22+$0x3060 ss:$0x81] =	vst.msk $0xffff, v62;
	s21 =	sshll.u32 s21, $0x9;
	s29 =	sshll.u32 s28, $0x12;
	s20 =	sadd.s32 s20, s27  }
0x21: {  	[tilespmem:s22+$0x0 ss:$0x81] =	vst.msk $0xffff, v63;
	s31 =	sor.u32 $0x400, s29;
	s30 =	sand.u32 $0x3FFFFFFF, s26;
	s20 =	sadd.s32 s21, s20  }
0x22: {  	[hbm4b:s20+s31] =	stream.strided.scatter [tilespmem:s19], [sflag:$0x2], s30, s8, s31, $0x20;
	[tilespmem:$0x10100] =	vst v63  }
.LBB1_5:
0x23: {  	p1 =	slt.u32 s15, $0x2  }
0x24: {  	p2 =	sgt.s32 @!p1 s18, $0xC7  }
0x25: {  	s19 =	smov.u32 s18;
	s20 =	sshra.s32 @!p1 s18, $0x1F;
	p2 =	por !p2, p1  }
0x26: {  	s18 =	sand.u32 @!p1 s20, s18;
	s19 =	simm.s32 @p2 $0xC7  }
0x27: {  	p3 =	sgt.s32 @!p1 s16, $0x40;
	s18 =	ssub.s32 @!p1 s19, s18  }
0x28: {  	p4 =	sgt.s32 @!p1 s17, $0xF80;
	s21 =	sshra.s32 @!p1 s17, $0x1F;
	s19 =	sadd.s32 @!p1 $0xFFFFFF39, s18  }
0x29: {  	s20 =	smov.u32 s16;
	p2 =	sgt.s32 @!p1 s19, $0x0;
	s19 =	sshra.s32 @!p1 s16, $0x1F  }
0x2a: {  	p4 =	por !p4, p1;
	s16 =	sand.u32 @!p1 s19, s16;
	s19 =	smov.u32 s17  }
0x2b: {  	p3 =	por !p3, p1;
	s17 =	sand.u32 @!p1 s21, s17;
	s19 =	simm.s32 @p4 $0xF80  }
0x2c: {  	s20 =	simm.s32 @p3 $0x40;
	s18 =	ssub.s32 @!p1 $0xC8, s18;
	s17 =	ssub.s32 @!p1 s19, s17  }
0x2d: {  	p2 =	por !p2, p1;
	s16 =	ssub.s32 @!p1 s20, s16;
	s20 =	sadd.s32 @!p1 $0xFFFFF080, s17  }
0x2e: {  	s18 =	simm.s32 @!p2 $0x0;
	p3 =	sgt.s32 @!p1 s20, $0x7F  }
0x2f: {  	s19 =	sadd.s32 @!p1 $0xFFFFFFC0, s16;
	s17 =	ssub.s32 @!p1 $0x1000, s17;
	p3 =	por !p3, p1  }
0x30: {  	p2 =	sgt.s32 @!p1 s19, $0x7F;
	s19 =	sadd.s32 $0x80, s12;
	s17 =	simm.s32 @!p3 $0x0  }
0x31: {  	p3 =	sgt.s32 s19, $0xBF;
	s17 =	smul.u32 @!p1 s17, s18;
	s18 =	simm.s32 $0x1  }
0x32: {  	s16 =	ssub.s32 @!p1 $0xC0, s16;
	p2 =	por !p2, p1;
	s18 =	simm.s32 @!p3 $0x0  }
0x33: {  	s21 =	smov.u32 s14;
	s16 =	simm.s32 @!p2 $0x0;
	s20 =	sadd.s32 s18, s13  }
0x34: {  	s16 =	smul.u32 @!p1 s16, s17;
	s17 =	sadd.s32 $0x1000, s14;
	p2 =	sgt.s32 s20, $0xC7  }
0x35: {  	p0 =	por !p0, !p0;
	s22 =	simm.s32 @!p1 $0x2;
	s21 =	smov.u32 @p2 s17  }
0x36: {  	s19 =	simm.s32 @p3 $0x0;
	s20 =	simm.s32 @p2 $0x0;
	p2 =	sgt.s32 s21, $0xFFF  }
0x37: {  	s18 =	smov.u32 s10;
	s21 =	smov.u32 @p2 s2;
	p2 =	sne.s32 s15, s7  }
.Ltmp1:
0x38: {  	s10 =	smov.u32 s13;
	s16 =	sand.u32 @!p1 $0x3FFFFFFF, s16;
	(pc) =	sbr.rel @!p2 .LBB1_6-.Ltmp1, $4  }
0x39: {  	s17 =	smov.u32 s11;
	s11 =	smov.u32 s14;
	_ =	swait.ge @!p1 [sflag:s22], s16  }
0x3a: {  	s23 =	ssub.s32 @!p1 $0x0, s16;
	s16 =	smov.u32 s9;
	s9 =	smov.u32 s12  }
0x3b: {  	s12 =	smov.u32 s19;
	s13 =	smov.u32 s20;
	[sflag:s22] =	ssyncset.done @!p1 $0x0  }
0x3c: {  	s15 =	sadd.s32 $0x1, s15;
	[sflag:s22] =	ssyncadd.s32 @!p1 s23;
	s14 =	smov.u32 s21  }
.LBB1_1:
0x3d: {  	p1 =	sge.u32 s15, s5  }
0x3e: {  	s19 =	sshll.u32 @!p1 s13, $0x8;
	s20 =	sshll.u32 @!p1 s12, $0x3  }
0x3f: {  	s21 =	sshll.u32 @!p1 s13, $0x7;
	s19 =	sand.u32 @!p1 $0xFFFFF800, s19;
	s20 =	sand.u32 @!p1 $0xFFFFFC00, s20  }
0x40: {  	s19 =	sadd.s32 @!p1 s19, s20;
	s20 =	sand.u32 @!p1 $0x300, s21  }
0x41: {  	s19 =	sor.u32 @!p1 s20, s19  }
0x42: {  	s19 =	sshrl.u32 @!p1 s19, $0x8  }
0x43: {  	s31 =	sadd.s32 $0xFFFFFFFF, s15;
	s20 =	smulhi.u32 @!p1 $0x147AE15, s19  }
0x44: {  	s22 =	sxor.u32 @!p1 $0xFFFFFFFF, s15;
	s23 =	sand.u32 @!p1 $0x78, s12;
	s24 =	smul.u32 @!p1 $0x1900, s14  }
0x45: {  	s22 =	sshll.u32 @!p1 s22, $0xE;
	s21 =	sand.u32 @!p1 $0x80, s21;
	s20 =	smul.u32 @!p1 $0xC8, s20  }
0x46: {  	s22 =	sand.u32 @!p1 $0x4000, s22;
	s21 =	sor.u32 @!p1 s23, s21;
	s23 =	sand.u32 @!p1 $0x7, s12  }
0x47: {  	s19 =	ssub.s32 @!p1 s19, s20;
	s20 =	sshrl.u32 @!p1 s21, $0x3;
	s21 =	sadd.s32 @!p1 s6, s24  }
0x48: {  	s19 =	sshll.u32 @!p1 s19, $0x5;
	s20 =	sadd.s32 @!p1 s20, s21;
	s21 =	sshll.u32 @!p1 s23, $0x12  }
0x49: {  	s19 =	sadd.s32 @!p1 s19, s20;
	s20 =	sor.u32 @!p1 $0x80, s21;
	s21 =	simm.s32 @!p1 $0xC800  }
0x4a: {  	[tilespmem:s22], [sflag:$0x1] =	stream.strided.gather @!p1 [hbm4b:s19+s20], $0x4000, s21, s20, $0x38;
	[tilespmem:$0x10100] =	vst v63  }
0x4b: {  	p1 =	sge.u32 s31, s5  }
.Ltmp2:
0x4c: {  	_ = 	snop;
	(pc) =	sbr.rel @p1 .LBB1_5-.Ltmp2, $1  }
0x4d: {  	_ =	sdelay $0x3  }
0x4e: {  	s19 =	simm.s32 $0x1  }
0x4f: {  	_ =	swait.ge [sflag:s4], $0x4000;
	s19 =	simm.s32 @!p0 $0x0  }
0x50: {  	[sflag:s4] =	ssyncset.done $0x0;
	s20 =	sshll.u32 s19, $0xE  }
0x51: {  	[sflag:s4] =	ssyncadd.s32 $0xFFFFC000;
	s20 =	sor.u32 $0x40, s20  }
0x52: {  	s19 =	smul.u32 $0x10200, s19;
	v0 =	vld [tilespmem:s20+$0x30]  }
0x53: {  	v1 =	vld [tilespmem:s20+$0xFFFFFFD0]  }
0x54: {  	s19 =	sshrl.u32 s19, $0x2;
	v5 =	vld [tilespmem:s20+$0xFFFFFFE0]  }
0x55: {  	v6 =	vld [tilespmem:s20+$0xFFFFFFF0];
	s22 =	sor.u32 $0x8000, s19  }
0x56: {  	s31 =	sand.u32 $0x1, s15;
	v4 =	vld [tilespmem:s20+$0x0];
	s21 =	sadd.s32 $0x0, s22  }
0x57: {  	v3 =	vld [tilespmem:s20+$0x10];
	s19 =	smul.u32 $0x10200, s31;
	[tilespmem:s21+$0x3870 ss:$0x81] =	vst.msk $0xffff, v0  }
0x58: {  	v2 =	vld [tilespmem:s20+$0x20];
	[tilespmem:s21+$0x810 ss:$0x81] =	vst.msk $0xffff, v1  }
0x59: {  	s19 =	sshrl.u32 s19, $0x2;
	v1 =	vld [tilespmem:s20+$0xFFFFFFC0];
	[tilespmem:s21+$0x1020 ss:$0x81] =	vst.msk $0xffff, v5;
	s20 =	sadd.s32 $0x80, s20  }
0x5a: {  	s23 =	simm.s32 $0x4;
	s24 =	simm.s32 $0x8;
	s19 =	sor.u32 $0x8000, s19;
	[tilespmem:s21+$0x1830 ss:$0x81] =	vst.msk $0xffff, v6;
	v0 =	vld [tilespmem:s20+$0x30]  }
.LBB1_3:
0x5b: {  	p1 =	sne.s32 s24, $0x1FC;
	v5 =	vld [tilespmem:s20+$0xFFFFFFD0];
	[tilespmem:s21+$0x2040 ss:$0x81] =	vst.msk $0xffff, v4  }
0x5c: {  	v6 =	vld [tilespmem:s20+$0xFFFFFFE0];
	[tilespmem:s21+$0x2850 ss:$0x81] =	vst.msk $0xffff, v3  }
0x5d: {  	s25 =	sshra.s32 s23, $0x2;
	s23 =	smov.u32 s24;
	v7 =	vld [tilespmem:s20+$0xFFFFFFF0];
	[tilespmem:s21+$0x3060 ss:$0x81] =	vst.msk $0xffff, v2  }
.Ltmp3:
0x5e: {  	v4 =	vld [tilespmem:s20+$0x0];
	[tilespmem:s21+$0x0 ss:$0x81] =	vst.msk $0xffff, v1;
	s21 =	sadd.s32 s25, s22;
	(pc) =	sbr.rel @p1 .LBB1_3-.Ltmp3, $4  }
0x5f: {  	v3 =	vld [tilespmem:s20+$0x10];
	[tilespmem:s21+$0x3870 ss:$0x81] =	vst.msk $0xffff, v0  }
0x60: {  	[tilespmem:s21+$0x810 ss:$0x81] =	vst.msk $0xffff, v5;
	v2 =	vld [tilespmem:s20+$0x20]  }
0x61: {  	v1 =	vld [tilespmem:s20+$0xFFFFFFC0];
	[tilespmem:s21+$0x1020 ss:$0x81] =	vst.msk $0xffff, v6;
	s20 =	sadd.s32 $0x80, s20  }
0x62: {  	s24 =	sadd.s32 $0x4, s24;
	v0 =	vld [tilespmem:s20+$0x30];
	[tilespmem:s21+$0x1830 ss:$0x81] =	vst.msk $0xffff, v7  }
.Ltmp4:
0x63: {  	_ = 	snop;
	(pc) =	sbr.rel .LBB1_4-.Ltmp4, $1  }
0x64: {  	_ =	sdelay $0x3  }
.LBB1_6:
0x65: {  	_ =	sfence.sel $0x180000  }
0x66: {  	s2 =	simm.s32 $0x1;
	[bflag:$0x0] =	sbarrier.arrive $0xFFFF  }
0x67: {  	s31 =	simm.s32 $0x2;
	[sflag:s2] =	ssyncpa.u1 $0x1  }
0x68: {  	[sflag:s31] =	ssyncpa.u1 $0x1  }
0x69: {  	p0 =	sne.s32 s0, $0x0;
	_ =	strace $0x9000004A  }
0x6a: {  	s0 =	sadd.s32 @!p0 $0x100000, s1;
	[bflag:$0x2] =	sbarrier.arrive $0xFFFF  }
0x6b: {  	[sflag:s0] =	ssyncadd.tile.s32 @!p0 $0x1;
	_ =	shalt  }
.Lfunc_end1:
_tile_overlayer_lowered:
.L_overlay_start_2:
0x6c: {  	(tag) =	ssettag $0x2  }
0x6d: {  	s0 =	rddreg [dreg:$0x0];
	s2 =	stileid.u32  }
0x6e: {  	s1 =	rddreg [dreg:$0x1];
	p0 =	sne.s32 s2, $0x0  }
0x6f: {  	s3 =	rddreg [dreg:$0x2];
	[bflag:$0x3] =	sbarrier.arrive $0xFFFF;
	s2 =	simm.s32 @!p0 $0x1C01  }
0x70: {  	[timem:s3], [sflag:s2] =	dma.local @!p0 [hbm:s0], s1  }
0x71: {  	s0 =	simm.s32 @!p0 $0x1  }
0x72: {  	_ =	swait.ge @!p0 [sflag:s0], s1  }
0x73: {  	s1 =	ssub.s32 @!p0 $0x0, s1;
	[sflag:s0] =	ssyncset.done @!p0 $0x0  }
0x74: {  	[sflag:s0] =	ssyncadd.s32 @!p0 s1  }
0x75: {  	[bflag:$0x3] =	sbarrier.arrive $0xFFFF  }
0x76: {  	_ =	shalt  }

</sc_bundles>
